<compile_context>
chip_gen: v7x
topology: tpu7x:2x2x1
jax: 0.10.2.dev20260603
libtpu: 0.0.44.dev20260713+nightly
codegen_flags: <defaults>
</compile_context>

<pallas_src>
import functools

import jax
import jax.numpy as jnp
from jax import lax
from jax.experimental import pallas as pl
from jax.experimental.pallas import tpu as pltpu
from jax.experimental.pallas import tpu_sc as plsc

N = 10000
E = 320000
IN_DIM = 128
HID_DIM = 32
OUT_DIM = 16

NPAD = 10240
NC = 2
NS = 16
NW = NC * NS
CH = 125
NCH = 80
EPW = NCH * CH
RPT = NPAD // NS
LAST_RPT = N - (NS - 1) * RPT


@functools.lru_cache(maxsize=None)
def _mesh():
    return plsc.VectorSubcoreMesh(core_axis_name="c", subcore_axis_name="s")



def _sc_degree(ei_hbm, ones_hbm, zeros_hbm, out_hbm, acc_sh, dst_v, ones_v, sem):
    cid = lax.axis_index("c")
    sid = lax.axis_index("s")
    wid = cid * NS + sid
    r0 = sid * RPT
    pltpu.sync_copy(zeros_hbm, acc_sh.at[pl.ds(r0, RPT)])
    pltpu.sync_copy(ei_hbm.at[1, wid], dst_v)
    pltpu.sync_copy(ones_hbm, ones_v)
    plsc.subcore_barrier()

    def step(j, carry):
        pltpu.sync_copy(ones_v, acc_sh.at[dst_v.at[j]], add=True)
        return carry

    lax.fori_loop(0, NCH, step, 0)
    plsc.subcore_barrier()

    @pl.when(sid < NS - 1)
    def _():
        pltpu.sync_copy(acc_sh.at[pl.ds(r0, RPT)],
                        out_hbm.at[cid, pl.ds(r0, RPT)])

    @pl.when(sid == NS - 1)
    def _():
        pltpu.sync_copy(acc_sh.at[pl.ds(r0, LAST_RPT)],
                        out_hbm.at[cid, pl.ds(r0, LAST_RPT)])


@functools.lru_cache(maxsize=None)
def _degree_call():
    return functools.partial(
        pl.kernel,
        out_type=jax.ShapeDtypeStruct((NC, N), jnp.float32),
        mesh=_mesh(),
        compiler_params=pltpu.CompilerParams(use_tc_tiling_on_sc=False),
        scratch_types=[
            pltpu.VMEM_SHARED((NPAD,), jnp.float32),
            pltpu.VMEM((NCH, CH), jnp.int32),
            pltpu.VMEM((CH,), jnp.float32),
            pltpu.SemaphoreType.DMA,
        ],
    )(_sc_degree)


def _make_sc_agg(D):
    def _sc_agg(ei_hbm, m_hbm, zeros_hbm, out_hbm,
                tab_sh, acc_sh, src_v, dst_v,
                buf_a, buf_b, buf_c, buf_d, sem_a, sem_b, sem_c, sem_d):
        cid = lax.axis_index("c")
        sid = lax.axis_index("s")
        wid = cid * NS + sid
        r0 = sid * RPT
        @pl.when(sid < NS - 1)
        def _():
            pltpu.sync_copy(m_hbm.at[pl.ds(r0, RPT)], tab_sh.at[pl.ds(r0, RPT)])

        @pl.when(sid == NS - 1)
        def _():
            pltpu.sync_copy(m_hbm.at[pl.ds(r0, LAST_RPT)],
                            tab_sh.at[pl.ds(r0, LAST_RPT)])

        pltpu.sync_copy(zeros_hbm, acc_sh.at[pl.ds(r0, RPT)])
        pltpu.sync_copy(ei_hbm.at[0, wid], src_v)
        pltpu.sync_copy(ei_hbm.at[1, wid], dst_v)
        plsc.subcore_barrier()

        bufs = (buf_a, buf_b, buf_c, buf_d)
        sems = (sem_a, sem_b, sem_c, sem_d)
        for k in range(4):
            pltpu.async_copy(tab_sh.at[src_v.at[k]], bufs[k], sems[k])

        def step(t, carry):
            for k in range(4):
                j = 4 * t + k
                pltpu.make_async_copy(tab_sh.at[src_v.at[j]],
                                      bufs[k], sems[k]).wait()
                pltpu.sync_copy(bufs[k], acc_sh.at[dst_v.at[j]], add=True)
                nxt = jnp.minimum(j + 4, NCH - 1)
                pltpu.async_copy(tab_sh.at[src_v.at[nxt]], bufs[k], sems[k])
            return carry

        lax.fori_loop(0, NCH // 4, step, 0)
        for k in range(4):
            pltpu.make_async_copy(tab_sh.at[src_v.at[0]], bufs[k], sems[k]).wait()
        plsc.subcore_barrier()
        pltpu.sync_copy(acc_sh.at[pl.ds(r0, RPT)],
                        out_hbm.at[cid, pl.ds(r0, RPT)])

    return functools.partial(
        pl.kernel,
        out_type=jax.ShapeDtypeStruct((NC, NPAD, D), jnp.float32),
        mesh=_mesh(),
        compiler_params=pltpu.CompilerParams(use_tc_tiling_on_sc=False),
        scratch_types=[
            pltpu.VMEM_SHARED((NPAD, D), jnp.float32),
            pltpu.VMEM_SHARED((NPAD, D), jnp.float32),
            pltpu.VMEM((NCH, CH), jnp.int32),
            pltpu.VMEM((NCH, CH), jnp.int32),
            pltpu.VMEM((CH, D), jnp.float32),
            pltpu.VMEM((CH, D), jnp.float32),
            pltpu.VMEM((CH, D), jnp.float32),
            pltpu.VMEM((CH, D), jnp.float32),
            pltpu.SemaphoreType.DMA,
            pltpu.SemaphoreType.DMA,
            pltpu.SemaphoreType.DMA,
            pltpu.SemaphoreType.DMA,
        ],
    )(_sc_agg)


_make_sc_agg = functools.lru_cache(maxsize=None)(_make_sc_agg)



_BLK = N
_GRID = 1


def _tc_m(x_ref, w1_ref, h1_ref):
    h1_ref[...] = jnp.dot(x_ref[...], w1_ref[...],
                          preferred_element_type=jnp.float32)


def _tc_a(h1_ref, degp_ref, m1_ref, dinv_ref):
    deg = degp_ref[0] + degp_ref[1] + 1.0
    dinv = lax.rsqrt(deg).reshape(_BLK, 1)
    m1_ref[...] = dinv * h1_ref[...]
    dinv_ref[...] = dinv


def _tc_b(m1_ref, acc_ref, dinv_ref, b1_ref, w2_ref, m2_ref):
    dinv = dinv_ref[...]
    s = m1_ref[...] + acc_ref[0] + acc_ref[1]
    z = jnp.maximum(dinv * s + b1_ref[...], 0.0)
    m2_ref[...] = dinv * jnp.dot(z, w2_ref[...], preferred_element_type=jnp.float32)


def _tc_c(m2_ref, acc_ref, dinv_ref, b2_ref, out_ref):
    dinv = dinv_ref[...]
    s = m2_ref[...] + acc_ref[0] + acc_ref[1]
    out_ref[...] = dinv * s + b2_ref[...]


def _tc_m_call(x, W1):
    return pl.pallas_call(
        _tc_m,
        grid=(_GRID,),
        in_specs=[
            pl.BlockSpec((_BLK, IN_DIM), lambda i: (i, 0)),
            pl.BlockSpec((IN_DIM, HID_DIM), lambda i: (0, 0)),
        ],
        out_specs=pl.BlockSpec((_BLK, HID_DIM), lambda i: (i, 0)),
        out_shape=jax.ShapeDtypeStruct((N, HID_DIM), jnp.float32),
    )(x, W1)


def _tc_a_call(h1, degp):
    return pl.pallas_call(
        _tc_a,
        grid=(_GRID,),
        in_specs=[
            pl.BlockSpec((_BLK, HID_DIM), lambda i: (i, 0)),
            pl.BlockSpec((NC, N), lambda i: (0, 0)),
        ],
        out_specs=[
            pl.BlockSpec((_BLK, HID_DIM), lambda i: (i, 0)),
            pl.BlockSpec((_BLK, 1), lambda i: (i, 0)),
        ],
        out_shape=[
            jax.ShapeDtypeStruct((N, HID_DIM), jnp.float32),
            jax.ShapeDtypeStruct((N, 1), jnp.float32),
        ],
    )(h1, degp)


def _tc_b_call(m1, acc1, dinv, b1, W2):
    return pl.pallas_call(
        _tc_b,
        grid=(_GRID,),
        in_specs=[
            pl.BlockSpec((_BLK, HID_DIM), lambda i: (i, 0)),
            pl.BlockSpec((NC, _BLK, HID_DIM), lambda i: (0, i, 0)),
            pl.BlockSpec((_BLK, 1), lambda i: (i, 0)),
            pl.BlockSpec((1, HID_DIM), lambda i: (0, 0)),
            pl.BlockSpec((HID_DIM, OUT_DIM), lambda i: (0, 0)),
        ],
        out_specs=pl.BlockSpec((_BLK, OUT_DIM), lambda i: (i, 0)),
        out_shape=jax.ShapeDtypeStruct((N, OUT_DIM), jnp.float32),
    )(m1, acc1, dinv, b1, W2)


def _tc_c_call(m2, acc2, dinv, b2):
    return pl.pallas_call(
        _tc_c,
        grid=(_GRID,),
        in_specs=[
            pl.BlockSpec((_BLK, OUT_DIM), lambda i: (i, 0)),
            pl.BlockSpec((NC, _BLK, OUT_DIM), lambda i: (0, i, 0)),
            pl.BlockSpec((_BLK, 1), lambda i: (i, 0)),
            pl.BlockSpec((1, OUT_DIM), lambda i: (0, 0)),
        ],
        out_specs=pl.BlockSpec((_BLK, OUT_DIM), lambda i: (i, 0)),
        out_shape=jax.ShapeDtypeStruct((N, OUT_DIM), jnp.float32),
    )(m2, acc2, dinv, b2)



def kernel(x, edge_index, W1, b1, W2, b2):
    ei = edge_index.reshape(2, NW, NCH, CH)

    ones_deg = jnp.ones((CH,), jnp.float32)
    zeros_deg = jnp.zeros((RPT,), jnp.float32)
    zeros32 = jnp.zeros((RPT, HID_DIM), jnp.float32)
    zeros16 = jnp.zeros((RPT, OUT_DIM), jnp.float32)

    degp = _degree_call()(ei, ones_deg, zeros_deg)
    h1 = _tc_m_call(x, W1)
    m1, dinv = _tc_a_call(h1, degp)
    acc1 = _make_sc_agg(HID_DIM)(ei, m1, zeros32)
    m2 = _tc_b_call(m1, acc1, dinv, b1.reshape(1, HID_DIM), W2)
    acc2 = _make_sc_agg(OUT_DIM)(ei, m2, zeros16)
    return _tc_c_call(m2, acc2, dinv, b2.reshape(1, OUT_DIM))

# --- scband reference (transcript-rebuilt; emitter-appended) ---
"""Pipeline reference for scband-gcnnet-56959856279864 (READ-ONLY COPY).

The authoritative reference and input builder live on the scoring server;
editing this copy changes nothing except your own understanding.
"""

import jax, jax.numpy as jnp
import numpy as np

N = 10000
E = 320000
IN_DIM = 128
HID_DIM = 32
OUT_DIM = 16


def gcn_layer(x, edge_index, W, b):
    n = x.shape[0]
    src = edge_index[0]
    dst = edge_index[1]
    # add self loops (PyG GCNConv default add_self_loops=True)
    loop = jnp.arange(n, dtype=src.dtype)
    src = jnp.concatenate([src, loop])
    dst = jnp.concatenate([dst, loop])
    # linear transform first (standard GCNConv order)
    h = x @ W
    # symmetric normalization D^{-1/2} A D^{-1/2}
    deg = jax.ops.segment_sum(jnp.ones(dst.shape[0], dtype=h.dtype), dst, num_segments=n)
    deg_inv_sqrt = jnp.where(deg > 0, 1.0 / jnp.sqrt(deg), 0.0)
    norm = deg_inv_sqrt[src] * deg_inv_sqrt[dst]
    # gather + scale + scatter-add
    msg = h[src] * norm[:, None]
    out = jax.ops.segment_sum(msg, dst, num_segments=n)
    return out + b


def setup_inputs(seed: int = 0) -> dict:
    key = jax.random.key(seed)
    k1, k2, k3, k4 = jax.random.split(key, 4)
    x = jax.random.normal(k1, (N, IN_DIM), dtype=jnp.float32)
    edge_index = jax.random.randint(k2, (2, E), 0, N, dtype=jnp.int32)
    W1 = jax.random.normal(k3, (IN_DIM, HID_DIM), dtype=jnp.float32) * (1.0 / np.sqrt(IN_DIM))
    b1 = jnp.zeros((HID_DIM,), dtype=jnp.float32)
    W2 = jax.random.normal(k4, (HID_DIM, OUT_DIM), dtype=jnp.float32) * (1.0 / np.sqrt(HID_DIM))
    b2 = jnp.zeros((OUT_DIM,), dtype=jnp.float32)
    return {"x": x, "edge_index": edge_index, "W1": W1, "b1": b1, "W2": W2, "b2": b2}


def reference(x, edge_index, W1, b1, W2, b2):
    # conv1 -> relu -> dropout(eval mode = identity) -> conv2
    h = jax.nn.relu(gcn_layer(x, edge_index, W1, b1))
    out = gcn_layer(h, edge_index, W2, b2)
    return out

if __name__ == "__main__":
    import jax
    _d = setup_inputs()
    print(jax.jit(kernel)(*tuple(_d.values())))

</pallas_src>

<mosaic_0001>
#map = affine_map<(d0, d1) -> (0, 0, 0, 0)>
#map1 = affine_map<(d0, d1) -> (0)>
#map2 = affine_map<(d0, d1) -> (0, 0)>
module attributes {stable_mosaic.version = 14 : i64} {
  func.func @_sc_degree(%arg0: i32, %arg1: i32, %arg2: memref<2x32x80x125xi32, #tpu.memory_space<hbm>>, %arg3: memref<125xf32, #tpu.memory_space<hbm>>, %arg4: memref<640xf32, #tpu.memory_space<hbm>>, %arg5: memref<2x10000xf32, #tpu.memory_space<hbm>>, %arg6: memref<10240xf32, #tpu.memory_space<vmem_shared>>, %arg7: memref<80x125xi32, #tpu.memory_space<vmem>>, %arg8: memref<125xf32, #tpu.memory_space<vmem>>, %arg9: memref<!tpu.dma_semaphore, #tpu.memory_space<semaphore_mem>>) attributes {dimension_semantics = [#tpu.dimension_semantics<core_parallel>, #tpu.dimension_semantics<subcore_parallel>], iteration_bounds = array<i64: 2, 16>, scalar_prefetch = 0 : i64, scratch_operands = 4 : i64, tpu.core_type = #tpu.core_type<sc_vector_subcore>, window_params = [{transform_indices = #map}, {transform_indices = #map1}, {transform_indices = #map1}, {transform_indices = #map2}]} {
    %mul3A = arith.constant 16 : i32
    %mul3A_0 = arith.muli %arg0, %mul3A : i32
    %add3A = arith.addi %mul3A_0, %arg1 : i32
    %mul3A_1 = arith.constant 640 : i32
    %mul3A_2 = arith.muli %arg1, %mul3A_1 : i32
    "tpu.region"() ({
      %run_scoped3A_15 = tpu.sem_alloc : memref<!tpu.dma_semaphore, #tpu.memory_space<semaphore_mem>>
      %dma_start3A = tpu.memref_slice %arg6[%mul3A_2] : memref<10240xf32, #tpu.memory_space<vmem_shared>> -> memref<640xf32, #tpu.memory_space<vmem_shared>>
      tpu.enqueue_dma source(%arg4 : memref<640xf32, #tpu.memory_space<hbm>>) target(%dma_start3A : memref<640xf32, #tpu.memory_space<vmem_shared>>) target_semaphore(%run_scoped3A_15 : memref<!tpu.dma_semaphore, #tpu.memory_space<semaphore_mem>>)
      %dma_wait3A = tpu.memref_slice %arg6[%mul3A_2] : memref<10240xf32, #tpu.memory_space<vmem_shared>> -> memref<640xf32, #tpu.memory_space<vmem_shared>>
      tpu.wait_dma2 semaphore(%run_scoped3A_15 : memref<!tpu.dma_semaphore, #tpu.memory_space<semaphore_mem>>) src(%arg4 : memref<640xf32, #tpu.memory_space<hbm>>) dst(%dma_wait3A : memref<640xf32, #tpu.memory_space<vmem_shared>>)
      tpu.yield
    }) : () -> ()
    %run_scoped3A = arith.constant 1 : i32
    "tpu.region"() ({
      %run_scoped3A_15 = tpu.sem_alloc : memref<!tpu.dma_semaphore, #tpu.memory_space<semaphore_mem>>
      %dma_start3A = arith.constant 0 : i32
      %dma_start3A_16 = arith.constant 0 : i32
      %dma_start3A_17 = tpu.memref_slice %arg2[%run_scoped3A, %add3A, %dma_start3A, %dma_start3A_16] : memref<2x32x80x125xi32, #tpu.memory_space<hbm>> -> memref<1x1x80x125xi32, #tpu.memory_space<hbm>>
      %dma_start3A_18 = tpu.memref_squeeze %dma_start3A_17 : memref<1x1x80x125xi32, #tpu.memory_space<hbm>> -> memref<80x125xi32, #tpu.memory_space<hbm>>
      %dma_start3A_19 = arith.constant 0 : i32
      %dma_start3A_20 = arith.constant 0 : i32
      %dma_start3A_21 = tpu.memref_slice %arg2[%run_scoped3A, %add3A, %dma_start3A_19, %dma_start3A_20] : memref<2x32x80x125xi32, #tpu.memory_space<hbm>> -> memref<1x1x80x125xi32, #tpu.memory_space<hbm>>
      %dma_start3A_22 = tpu.memref_squeeze %dma_start3A_21 : memref<1x1x80x125xi32, #tpu.memory_space<hbm>> -> memref<80x125xi32, #tpu.memory_space<hbm>>
      tpu.enqueue_dma source(%dma_start3A_22 : memref<80x125xi32, #tpu.memory_space<hbm>>) target(%arg7 : memref<80x125xi32, #tpu.memory_space<vmem>>) target_semaphore(%run_scoped3A_15 : memref<!tpu.dma_semaphore, #tpu.memory_space<semaphore_mem>>)
      %dma_wait3A = arith.constant 0 : i32
      %dma_wait3A_23 = arith.constant 0 : i32
      %dma_wait3A_24 = tpu.memref_slice %arg2[%run_scoped3A, %add3A, %dma_wait3A, %dma_wait3A_23] : memref<2x32x80x125xi32, #tpu.memory_space<hbm>> -> memref<1x1x80x125xi32, #tpu.memory_space<hbm>>
      %dma_wait3A_25 = tpu.memref_squeeze %dma_wait3A_24 : memref<1x1x80x125xi32, #tpu.memory_space<hbm>> -> memref<80x125xi32, #tpu.memory_space<hbm>>
      %dma_wait3A_26 = arith.constant 0 : i32
      %dma_wait3A_27 = arith.constant 0 : i32
      %dma_wait3A_28 = tpu.memref_slice %arg2[%run_scoped3A, %add3A, %dma_wait3A_26, %dma_wait3A_27] : memref<2x32x80x125xi32, #tpu.memory_space<hbm>> -> memref<1x1x80x125xi32, #tpu.memory_space<hbm>>
      %dma_wait3A_29 = tpu.memref_squeeze %dma_wait3A_28 : memref<1x1x80x125xi32, #tpu.memory_space<hbm>> -> memref<80x125xi32, #tpu.memory_space<hbm>>
      tpu.wait_dma2 semaphore(%run_scoped3A_15 : memref<!tpu.dma_semaphore, #tpu.memory_space<semaphore_mem>>) src(%dma_wait3A_29 : memref<80x125xi32, #tpu.memory_space<hbm>>) dst(%arg7 : memref<80x125xi32, #tpu.memory_space<vmem>>)
      tpu.yield
    }) : () -> ()
    "tpu.region"() ({
      %run_scoped3A_15 = tpu.sem_alloc : memref<!tpu.dma_semaphore, #tpu.memory_space<semaphore_mem>>
      tpu.enqueue_dma source(%arg3 : memref<125xf32, #tpu.memory_space<hbm>>) target(%arg8 : memref<125xf32, #tpu.memory_space<vmem>>) target_semaphore(%run_scoped3A_15 : memref<!tpu.dma_semaphore, #tpu.memory_space<semaphore_mem>>)
      tpu.wait_dma2 semaphore(%run_scoped3A_15 : memref<!tpu.dma_semaphore, #tpu.memory_space<semaphore_mem>>) src(%arg3 : memref<125xf32, #tpu.memory_space<hbm>>) dst(%arg8 : memref<125xf32, #tpu.memory_space<vmem>>)
      tpu.yield
    }) : () -> ()
    %barrier3A = arith.constant 0 : index
    tpu.barrier barrier_id(%barrier3A)
    %scan3A = arith.constant 0 : i32
    %scan3A_3 = arith.constant 0 : i32
    %scan3A_4 = arith.constant 80 : i32
    %scan3A_5 = arith.addi %scan3A_3, %scan3A_4 : i32
    %scan3A_6 = arith.constant 1 : i32
    scf.for %scan3A_15 = %scan3A_3 to %scan3A_5 step %scan3A_6  : i32 {
      "tpu.region"() ({
        %run_scoped3A_16 = tpu.sem_alloc : memref<!tpu.dma_semaphore, #tpu.memory_space<semaphore_mem>>
        %dma_start3A = arith.constant 0 : i32
        %dma_start3A_17 = tpu.memref_slice %arg7[%scan3A_15, %dma_start3A] : memref<80x125xi32, #tpu.memory_space<vmem>> -> memref<1x125xi32, #tpu.memory_space<vmem>>
        %dma_start3A_18 = tpu.memref_squeeze %dma_start3A_17 : memref<1x125xi32, #tpu.memory_space<vmem>> -> memref<125xi32, #tpu.memory_space<vmem>>
        %dma_start3A_19 = arith.constant 0 : i32
        %dma_start3A_20 = tpu.memref_slice %arg6[%dma_start3A_19] : memref<10240xf32, #tpu.memory_space<vmem_shared>> -> memref<10240xf32, #tpu.memory_space<vmem_shared>>
        tpu.enqueue_indirect_dma source(%arg8 : memref<125xf32, #tpu.memory_space<vmem>>) target(%dma_start3A_20 : memref<10240xf32, #tpu.memory_space<vmem_shared>>) offsets(%dma_start3A_18 : memref<125xi32, #tpu.memory_space<vmem>>) semaphore(%run_scoped3A_16 : memref<!tpu.dma_semaphore, #tpu.memory_space<semaphore_mem>>) {add = true}
        %dma_wait3A = arith.constant 0 : i32
        %dma_wait3A_21 = tpu.memref_slice %arg7[%scan3A_15, %dma_wait3A] : memref<80x125xi32, #tpu.memory_space<vmem>> -> memref<1x125xi32, #tpu.memory_space<vmem>>
        %dma_wait3A_22 = tpu.memref_squeeze %dma_wait3A_21 : memref<1x125xi32, #tpu.memory_space<vmem>> -> memref<125xi32, #tpu.memory_space<vmem>>
        %dma_wait3A_23 = arith.constant 0 : i32
        %dma_wait3A_24 = tpu.memref_slice %arg6[%dma_wait3A_23] : memref<10240xf32, #tpu.memory_space<vmem_shared>> -> memref<10240xf32, #tpu.memory_space<vmem_shared>>
        tpu.wait_indirect_dma semaphore(%run_scoped3A_16 : memref<!tpu.dma_semaphore, #tpu.memory_space<semaphore_mem>>) src(%arg8 : memref<125xf32, #tpu.memory_space<vmem>>) dst(%dma_wait3A_24 : memref<10240xf32, #tpu.memory_space<vmem_shared>>)
        tpu.yield
      }) : () -> ()
    }
    %scan3A_7 = arith.constant 80 : i32
    %barrier3A_8 = arith.constant 0 : index
    tpu.barrier barrier_id(%barrier3A_8)
    %lt3A = arith.constant 15 : i32
    %lt3A_9 = arith.cmpi slt, %arg1, %lt3A : i32
    %convert_element_type3A = arith.extui %lt3A_9 : i1 to i32
    %cond3A = arith.constant 0 : i32
    %cond3A_10 = arith.cmpi ne, %convert_element_type3A, %cond3A : i32
    scf.if %cond3A_10 {
      "tpu.region"() ({
        %run_scoped3A_15 = tpu.sem_alloc : memref<!tpu.dma_semaphore, #tpu.memory_space<semaphore_mem>>
        %dma_start3A = tpu.memref_slice %arg5[%arg0, %mul3A_2] : memref<2x10000xf32, #tpu.memory_space<hbm>> -> memref<1x640xf32, #tpu.memory_space<hbm>>
        %dma_start3A_16 = tpu.memref_squeeze %dma_start3A : memref<1x640xf32, #tpu.memory_space<hbm>> -> memref<640xf32, #tpu.memory_space<hbm>>
        %dma_start3A_17 = tpu.memref_slice %arg6[%mul3A_2] : memref<10240xf32, #tpu.memory_space<vmem_shared>> -> memref<640xf32, #tpu.memory_space<vmem_shared>>
        tpu.enqueue_dma source(%dma_start3A_17 : memref<640xf32, #tpu.memory_space<vmem_shared>>) target(%dma_start3A_16 : memref<640xf32, #tpu.memory_space<hbm>>) target_semaphore(%run_scoped3A_15 : memref<!tpu.dma_semaphore, #tpu.memory_space<semaphore_mem>>)
        %dma_wait3A = tpu.memref_slice %arg5[%arg0, %mul3A_2] : memref<2x10000xf32, #tpu.memory_space<hbm>> -> memref<1x640xf32, #tpu.memory_space<hbm>>
        %dma_wait3A_18 = tpu.memref_squeeze %dma_wait3A : memref<1x640xf32, #tpu.memory_space<hbm>> -> memref<640xf32, #tpu.memory_space<hbm>>
        %dma_wait3A_19 = tpu.memref_slice %arg6[%mul3A_2] : memref<10240xf32, #tpu.memory_space<vmem_shared>> -> memref<640xf32, #tpu.memory_space<vmem_shared>>
        tpu.wait_dma2 semaphore(%run_scoped3A_15 : memref<!tpu.dma_semaphore, #tpu.memory_space<semaphore_mem>>) src(%dma_wait3A_19 : memref<640xf32, #tpu.memory_space<vmem_shared>>) dst(%dma_wait3A_18 : memref<640xf32, #tpu.memory_space<hbm>>)
        tpu.yield
      }) : () -> ()
    } else {
    }
    %eq3A = arith.constant 15 : i32
    %eq3A_11 = arith.cmpi eq, %arg1, %eq3A : i32
    %convert_element_type3A_12 = arith.extui %eq3A_11 : i1 to i32
    %cond3A_13 = arith.constant 0 : i32
    %cond3A_14 = arith.cmpi ne, %convert_element_type3A_12, %cond3A_13 : i32
    scf.if %cond3A_14 {
      "tpu.region"() ({
        %run_scoped3A_15 = tpu.sem_alloc : memref<!tpu.dma_semaphore, #tpu.memory_space<semaphore_mem>>
        %dma_start3A = tpu.memref_slice %arg5[%arg0, %mul3A_2] : memref<2x10000xf32, #tpu.memory_space<hbm>> -> memref<1x400xf32, #tpu.memory_space<hbm>>
        %dma_start3A_16 = tpu.memref_squeeze %dma_start3A : memref<1x400xf32, #tpu.memory_space<hbm>> -> memref<400xf32, #tpu.memory_space<hbm>>
        %dma_start3A_17 = tpu.memref_slice %arg6[%mul3A_2] : memref<10240xf32, #tpu.memory_space<vmem_shared>> -> memref<400xf32, #tpu.memory_space<vmem_shared>>
        tpu.enqueue_dma source(%dma_start3A_17 : memref<400xf32, #tpu.memory_space<vmem_shared>>) target(%dma_start3A_16 : memref<400xf32, #tpu.memory_space<hbm>>) target_semaphore(%run_scoped3A_15 : memref<!tpu.dma_semaphore, #tpu.memory_space<semaphore_mem>>)
        %dma_wait3A = tpu.memref_slice %arg5[%arg0, %mul3A_2] : memref<2x10000xf32, #tpu.memory_space<hbm>> -> memref<1x400xf32, #tpu.memory_space<hbm>>
        %dma_wait3A_18 = tpu.memref_squeeze %dma_wait3A : memref<1x400xf32, #tpu.memory_space<hbm>> -> memref<400xf32, #tpu.memory_space<hbm>>
        %dma_wait3A_19 = tpu.memref_slice %arg6[%mul3A_2] : memref<10240xf32, #tpu.memory_space<vmem_shared>> -> memref<400xf32, #tpu.memory_space<vmem_shared>>
        tpu.wait_dma2 semaphore(%run_scoped3A_15 : memref<!tpu.dma_semaphore, #tpu.memory_space<semaphore_mem>>) src(%dma_wait3A_19 : memref<400xf32, #tpu.memory_space<vmem_shared>>) dst(%dma_wait3A_18 : memref<400xf32, #tpu.memory_space<hbm>>)
        tpu.yield
      }) : () -> ()
    } else {
    }
    return
  }
}

#map = affine_map<(d0, d1) -> (0, 0, 0, 0)>
#map1 = affine_map<(d0, d1) -> (0, 0)>
#map2 = affine_map<(d0, d1) -> (0, 0, 0)>
module attributes {stable_mosaic.version = 14 : i64} {
  func.func @_sc_agg(%arg0: i32, %arg1: i32, %arg2: memref<2x32x80x125xi32, #tpu.memory_space<hbm>>, %arg3: memref<10000x32xf32, #tpu.memory_space<hbm>>, %arg4: memref<640x32xf32, #tpu.memory_space<hbm>>, %arg5: memref<2x10240x32xf32, #tpu.memory_space<hbm>>, %arg6: memref<10240x32xf32, #tpu.memory_space<vmem_shared>>, %arg7: memref<10240x32xf32, #tpu.memory_space<vmem_shared>>, %arg8: memref<80x125xi32, #tpu.memory_space<vmem>>, %arg9: memref<80x125xi32, #tpu.memory_space<vmem>>, %arg10: memref<125x32xf32, #tpu.memory_space<vmem>>, %arg11: memref<125x32xf32, #tpu.memory_space<vmem>>, %arg12: memref<125x32xf32, #tpu.memory_space<vmem>>, %arg13: memref<125x32xf32, #tpu.memory_space<vmem>>, %arg14: memref<!tpu.dma_semaphore, #tpu.memory_space<semaphore_mem>>, %arg15: memref<!tpu.dma_semaphore, #tpu.memory_space<semaphore_mem>>, %arg16: memref<!tpu.dma_semaphore, #tpu.memory_space<semaphore_mem>>, %arg17: memref<!tpu.dma_semaphore, #tpu.memory_space<semaphore_mem>>) attributes {dimension_semantics = [#tpu.dimension_semantics<core_parallel>, #tpu.dimension_semantics<subcore_parallel>], iteration_bounds = array<i64: 2, 16>, scalar_prefetch = 0 : i64, scratch_operands = 12 : i64, tpu.core_type = #tpu.core_type<sc_vector_subcore>, window_params = [{transform_indices = #map}, {transform_indices = #map1}, {transform_indices = #map1}, {transform_indices = #map2}]} {
    %mul3A = arith.constant 16 : i32
    %mul3A_0 = arith.muli %arg0, %mul3A : i32
    %add3A = arith.addi %mul3A_0, %arg1 : i32
    %mul3A_1 = arith.constant 640 : i32
    %mul3A_2 = arith.muli %arg1, %mul3A_1 : i32
    %lt3A = arith.constant 15 : i32
    %lt3A_3 = arith.cmpi slt, %arg1, %lt3A : i32
    %convert_element_type3A = arith.extui %lt3A_3 : i1 to i32
    %cond3A = arith.constant 0 : i32
    %cond3A_4 = arith.cmpi ne, %convert_element_type3A, %cond3A : i32
    scf.if %cond3A_4 {
      "tpu.region"() ({
        %run_scoped3A_70 = tpu.sem_alloc : memref<!tpu.dma_semaphore, #tpu.memory_space<semaphore_mem>>
        %dma_start3A_71 = arith.constant 0 : i32
        %dma_start3A_72 = tpu.memref_slice %arg6[%mul3A_2, %dma_start3A_71] : memref<10240x32xf32, #tpu.memory_space<vmem_shared>> -> memref<640x32xf32, #tpu.memory_space<vmem_shared>>
        %dma_start3A_73 = arith.constant 0 : i32
        %dma_start3A_74 = tpu.memref_slice %arg3[%mul3A_2, %dma_start3A_73] : memref<10000x32xf32, #tpu.memory_space<hbm>> -> memref<640x32xf32, #tpu.memory_space<hbm>>
        tpu.enqueue_dma source(%dma_start3A_74 : memref<640x32xf32, #tpu.memory_space<hbm>>) target(%dma_start3A_72 : memref<640x32xf32, #tpu.memory_space<vmem_shared>>) target_semaphore(%run_scoped3A_70 : memref<!tpu.dma_semaphore, #tpu.memory_space<semaphore_mem>>)
        %dma_wait3A_75 = arith.constant 0 : i32
        %dma_wait3A_76 = tpu.memref_slice %arg6[%mul3A_2, %dma_wait3A_75] : memref<10240x32xf32, #tpu.memory_space<vmem_shared>> -> memref<640x32xf32, #tpu.memory_space<vmem_shared>>
        %dma_wait3A_77 = arith.constant 0 : i32
        %dma_wait3A_78 = tpu.memref_slice %arg3[%mul3A_2, %dma_wait3A_77] : memref<10000x32xf32, #tpu.memory_space<hbm>> -> memref<640x32xf32, #tpu.memory_space<hbm>>
        tpu.wait_dma2 semaphore(%run_scoped3A_70 : memref<!tpu.dma_semaphore, #tpu.memory_space<semaphore_mem>>) src(%dma_wait3A_78 : memref<640x32xf32, #tpu.memory_space<hbm>>) dst(%dma_wait3A_76 : memref<640x32xf32, #tpu.memory_space<vmem_shared>>)
        tpu.yield
      }) : () -> ()
    } else {
    }
    %eq3A = arith.constant 15 : i32
    %eq3A_5 = arith.cmpi eq, %arg1, %eq3A : i32
    %convert_element_type3A_6 = arith.extui %eq3A_5 : i1 to i32
    %cond3A_7 = arith.constant 0 : i32
    %cond3A_8 = arith.cmpi ne, %convert_element_type3A_6, %cond3A_7 : i32
    scf.if %cond3A_8 {
      "tpu.region"() ({
        %run_scoped3A_70 = tpu.sem_alloc : memref<!tpu.dma_semaphore, #tpu.memory_space<semaphore_mem>>
        %dma_start3A_71 = arith.constant 0 : i32
        %dma_start3A_72 = tpu.memref_slice %arg6[%mul3A_2, %dma_start3A_71] : memref<10240x32xf32, #tpu.memory_space<vmem_shared>> -> memref<400x32xf32, #tpu.memory_space<vmem_shared>>
        %dma_start3A_73 = arith.constant 0 : i32
        %dma_start3A_74 = tpu.memref_slice %arg3[%mul3A_2, %dma_start3A_73] : memref<10000x32xf32, #tpu.memory_space<hbm>> -> memref<400x32xf32, #tpu.memory_space<hbm>>
        tpu.enqueue_dma source(%dma_start3A_74 : memref<400x32xf32, #tpu.memory_space<hbm>>) target(%dma_start3A_72 : memref<400x32xf32, #tpu.memory_space<vmem_shared>>) target_semaphore(%run_scoped3A_70 : memref<!tpu.dma_semaphore, #tpu.memory_space<semaphore_mem>>)
        %dma_wait3A_75 = arith.constant 0 : i32
        %dma_wait3A_76 = tpu.memref_slice %arg6[%mul3A_2, %dma_wait3A_75] : memref<10240x32xf32, #tpu.memory_space<vmem_shared>> -> memref<400x32xf32, #tpu.memory_space<vmem_shared>>
        %dma_wait3A_77 = arith.constant 0 : i32
        %dma_wait3A_78 = tpu.memref_slice %arg3[%mul3A_2, %dma_wait3A_77] : memref<10000x32xf32, #tpu.memory_space<hbm>> -> memref<400x32xf32, #tpu.memory_space<hbm>>
        tpu.wait_dma2 semaphore(%run_scoped3A_70 : memref<!tpu.dma_semaphore, #tpu.memory_space<semaphore_mem>>) src(%dma_wait3A_78 : memref<400x32xf32, #tpu.memory_space<hbm>>) dst(%dma_wait3A_76 : memref<400x32xf32, #tpu.memory_space<vmem_shared>>)
        tpu.yield
      }) : () -> ()
    } else {
    }
    "tpu.region"() ({
      %run_scoped3A_70 = tpu.sem_alloc : memref<!tpu.dma_semaphore, #tpu.memory_space<semaphore_mem>>
      %dma_start3A_71 = arith.constant 0 : i32
      %dma_start3A_72 = tpu.memref_slice %arg7[%mul3A_2, %dma_start3A_71] : memref<10240x32xf32, #tpu.memory_space<vmem_shared>> -> memref<640x32xf32, #tpu.memory_space<vmem_shared>>
      tpu.enqueue_dma source(%arg4 : memref<640x32xf32, #tpu.memory_space<hbm>>) target(%dma_start3A_72 : memref<640x32xf32, #tpu.memory_space<vmem_shared>>) target_semaphore(%run_scoped3A_70 : memref<!tpu.dma_semaphore, #tpu.memory_space<semaphore_mem>>)
      %dma_wait3A_73 = arith.constant 0 : i32
      %dma_wait3A_74 = tpu.memref_slice %arg7[%mul3A_2, %dma_wait3A_73] : memref<10240x32xf32, #tpu.memory_space<vmem_shared>> -> memref<640x32xf32, #tpu.memory_space<vmem_shared>>
      tpu.wait_dma2 semaphore(%run_scoped3A_70 : memref<!tpu.dma_semaphore, #tpu.memory_space<semaphore_mem>>) src(%arg4 : memref<640x32xf32, #tpu.memory_space<hbm>>) dst(%dma_wait3A_74 : memref<640x32xf32, #tpu.memory_space<vmem_shared>>)
      tpu.yield
    }) : () -> ()
    %run_scoped3A = arith.constant 0 : i32
    "tpu.region"() ({
      %run_scoped3A_70 = tpu.sem_alloc : memref<!tpu.dma_semaphore, #tpu.memory_space<semaphore_mem>>
      %dma_start3A_71 = arith.constant 0 : i32
      %dma_start3A_72 = arith.constant 0 : i32
      %dma_start3A_73 = tpu.memref_slice %arg2[%run_scoped3A, %add3A, %dma_start3A_71, %dma_start3A_72] : memref<2x32x80x125xi32, #tpu.memory_space<hbm>> -> memref<1x1x80x125xi32, #tpu.memory_space<hbm>>
      %dma_start3A_74 = tpu.memref_squeeze %dma_start3A_73 : memref<1x1x80x125xi32, #tpu.memory_space<hbm>> -> memref<80x125xi32, #tpu.memory_space<hbm>>
      %dma_start3A_75 = arith.constant 0 : i32
      %dma_start3A_76 = arith.constant 0 : i32
      %dma_start3A_77 = tpu.memref_slice %arg2[%run_scoped3A, %add3A, %dma_start3A_75, %dma_start3A_76] : memref<2x32x80x125xi32, #tpu.memory_space<hbm>> -> memref<1x1x80x125xi32, #tpu.memory_space<hbm>>
      %dma_start3A_78 = tpu.memref_squeeze %dma_start3A_77 : memref<1x1x80x125xi32, #tpu.memory_space<hbm>> -> memref<80x125xi32, #tpu.memory_space<hbm>>
      tpu.enqueue_dma source(%dma_start3A_78 : memref<80x125xi32, #tpu.memory_space<hbm>>) target(%arg8 : memref<80x125xi32, #tpu.memory_space<vmem>>) target_semaphore(%run_scoped3A_70 : memref<!tpu.dma_semaphore, #tpu.memory_space<semaphore_mem>>)
      %dma_wait3A_79 = arith.constant 0 : i32
      %dma_wait3A_80 = arith.constant 0 : i32
      %dma_wait3A_81 = tpu.memref_slice %arg2[%run_scoped3A, %add3A, %dma_wait3A_79, %dma_wait3A_80] : memref<2x32x80x125xi32, #tpu.memory_space<hbm>> -> memref<1x1x80x125xi32, #tpu.memory_space<hbm>>
      %dma_wait3A_82 = tpu.memref_squeeze %dma_wait3A_81 : memref<1x1x80x125xi32, #tpu.memory_space<hbm>> -> memref<80x125xi32, #tpu.memory_space<hbm>>
      %dma_wait3A_83 = arith.constant 0 : i32
      %dma_wait3A_84 = arith.constant 0 : i32
      %dma_wait3A_85 = tpu.memref_slice %arg2[%run_scoped3A, %add3A, %dma_wait3A_83, %dma_wait3A_84] : memref<2x32x80x125xi32, #tpu.memory_space<hbm>> -> memref<1x1x80x125xi32, #tpu.memory_space<hbm>>
      %dma_wait3A_86 = tpu.memref_squeeze %dma_wait3A_85 : memref<1x1x80x125xi32, #tpu.memory_space<hbm>> -> memref<80x125xi32, #tpu.memory_space<hbm>>
      tpu.wait_dma2 semaphore(%run_scoped3A_70 : memref<!tpu.dma_semaphore, #tpu.memory_space<semaphore_mem>>) src(%dma_wait3A_86 : memref<80x125xi32, #tpu.memory_space<hbm>>) dst(%arg8 : memref<80x125xi32, #tpu.memory_space<vmem>>)
      tpu.yield
    }) : () -> ()
    %run_scoped3A_9 = arith.constant 1 : i32
    "tpu.region"() ({
      %run_scoped3A_70 = tpu.sem_alloc : memref<!tpu.dma_semaphore, #tpu.memory_space<semaphore_mem>>
      %dma_start3A_71 = arith.constant 0 : i32
      %dma_start3A_72 = arith.constant 0 : i32
      %dma_start3A_73 = tpu.memref_slice %arg2[%run_scoped3A_9, %add3A, %dma_start3A_71, %dma_start3A_72] : memref<2x32x80x125xi32, #tpu.memory_space<hbm>> -> memref<1x1x80x125xi32, #tpu.memory_space<hbm>>
      %dma_start3A_74 = tpu.memref_squeeze %dma_start3A_73 : memref<1x1x80x125xi32, #tpu.memory_space<hbm>> -> memref<80x125xi32, #tpu.memory_space<hbm>>
      %dma_start3A_75 = arith.constant 0 : i32
      %dma_start3A_76 = arith.constant 0 : i32
      %dma_start3A_77 = tpu.memref_slice %arg2[%run_scoped3A_9, %add3A, %dma_start3A_75, %dma_start3A_76] : memref<2x32x80x125xi32, #tpu.memory_space<hbm>> -> memref<1x1x80x125xi32, #tpu.memory_space<hbm>>
      %dma_start3A_78 = tpu.memref_squeeze %dma_start3A_77 : memref<1x1x80x125xi32, #tpu.memory_space<hbm>> -> memref<80x125xi32, #tpu.memory_space<hbm>>
      tpu.enqueue_dma source(%dma_start3A_78 : memref<80x125xi32, #tpu.memory_space<hbm>>) target(%arg9 : memref<80x125xi32, #tpu.memory_space<vmem>>) target_semaphore(%run_scoped3A_70 : memref<!tpu.dma_semaphore, #tpu.memory_space<semaphore_mem>>)
      %dma_wait3A_79 = arith.constant 0 : i32
      %dma_wait3A_80 = arith.constant 0 : i32
      %dma_wait3A_81 = tpu.memref_slice %arg2[%run_scoped3A_9, %add3A, %dma_wait3A_79, %dma_wait3A_80] : memref<2x32x80x125xi32, #tpu.memory_space<hbm>> -> memref<1x1x80x125xi32, #tpu.memory_space<hbm>>
      %dma_wait3A_82 = tpu.memref_squeeze %dma_wait3A_81 : memref<1x1x80x125xi32, #tpu.memory_space<hbm>> -> memref<80x125xi32, #tpu.memory_space<hbm>>
      %dma_wait3A_83 = arith.constant 0 : i32
      %dma_wait3A_84 = arith.constant 0 : i32
      %dma_wait3A_85 = tpu.memref_slice %arg2[%run_scoped3A_9, %add3A, %dma_wait3A_83, %dma_wait3A_84] : memref<2x32x80x125xi32, #tpu.memory_space<hbm>> -> memref<1x1x80x125xi32, #tpu.memory_space<hbm>>
      %dma_wait3A_86 = tpu.memref_squeeze %dma_wait3A_85 : memref<1x1x80x125xi32, #tpu.memory_space<hbm>> -> memref<80x125xi32, #tpu.memory_space<hbm>>
      tpu.wait_dma2 semaphore(%run_scoped3A_70 : memref<!tpu.dma_semaphore, #tpu.memory_space<semaphore_mem>>) src(%dma_wait3A_86 : memref<80x125xi32, #tpu.memory_space<hbm>>) dst(%arg9 : memref<80x125xi32, #tpu.memory_space<vmem>>)
      tpu.yield
    }) : () -> ()
    %barrier3A = arith.constant 0 : index
    tpu.barrier barrier_id(%barrier3A)
    %dma_start3A = arith.constant 0 : i32
    %dma_start3A_10 = arith.constant 0 : i32
    %dma_start3A_11 = tpu.memref_slice %arg8[%dma_start3A, %dma_start3A_10] : memref<80x125xi32, #tpu.memory_space<vmem>> -> memref<1x125xi32, #tpu.memory_space<vmem>>
    %dma_start3A_12 = tpu.memref_squeeze %dma_start3A_11 : memref<1x125xi32, #tpu.memory_space<vmem>> -> memref<125xi32, #tpu.memory_space<vmem>>
    %dma_start3A_13 = arith.constant 0 : i32
    %dma_start3A_14 = arith.constant 0 : i32
    %dma_start3A_15 = tpu.memref_slice %arg6[%dma_start3A_13, %dma_start3A_14] : memref<10240x32xf32, #tpu.memory_space<vmem_shared>> -> memref<10240x32xf32, #tpu.memory_space<vmem_shared>>
    tpu.enqueue_indirect_dma source(%dma_start3A_15 : memref<10240x32xf32, #tpu.memory_space<vmem_shared>>) target(%arg10 : memref<125x32xf32, #tpu.memory_space<vmem>>) offsets(%dma_start3A_12 : memref<125xi32, #tpu.memory_space<vmem>>) semaphore(%arg14 : memref<!tpu.dma_semaphore, #tpu.memory_space<semaphore_mem>>)
    %dma_start3A_16 = arith.constant 1 : i32
    %dma_start3A_17 = arith.constant 0 : i32
    %dma_start3A_18 = tpu.memref_slice %arg8[%dma_start3A_16, %dma_start3A_17] : memref<80x125xi32, #tpu.memory_space<vmem>> -> memref<1x125xi32, #tpu.memory_space<vmem>>
    %dma_start3A_19 = tpu.memref_squeeze %dma_start3A_18 : memref<1x125xi32, #tpu.memory_space<vmem>> -> memref<125xi32, #tpu.memory_space<vmem>>
    %dma_start3A_20 = arith.constant 0 : i32
    %dma_start3A_21 = arith.constant 0 : i32
    %dma_start3A_22 = tpu.memref_slice %arg6[%dma_start3A_20, %dma_start3A_21] : memref<10240x32xf32, #tpu.memory_space<vmem_shared>> -> memref<10240x32xf32, #tpu.memory_space<vmem_shared>>
    tpu.enqueue_indirect_dma source(%dma_start3A_22 : memref<10240x32xf32, #tpu.memory_space<vmem_shared>>) target(%arg11 : memref<125x32xf32, #tpu.memory_space<vmem>>) offsets(%dma_start3A_19 : memref<125xi32, #tpu.memory_space<vmem>>) semaphore(%arg15 : memref<!tpu.dma_semaphore, #tpu.memory_space<semaphore_mem>>)
    %dma_start3A_23 = arith.constant 2 : i32
    %dma_start3A_24 = arith.constant 0 : i32
    %dma_start3A_25 = tpu.memref_slice %arg8[%dma_start3A_23, %dma_start3A_24] : memref<80x125xi32, #tpu.memory_space<vmem>> -> memref<1x125xi32, #tpu.memory_space<vmem>>
    %dma_start3A_26 = tpu.memref_squeeze %dma_start3A_25 : memref<1x125xi32, #tpu.memory_space<vmem>> -> memref<125xi32, #tpu.memory_space<vmem>>
    %dma_start3A_27 = arith.constant 0 : i32
    %dma_start3A_28 = arith.constant 0 : i32
    %dma_start3A_29 = tpu.memref_slice %arg6[%dma_start3A_27, %dma_start3A_28] : memref<10240x32xf32, #tpu.memory_space<vmem_shared>> -> memref<10240x32xf32, #tpu.memory_space<vmem_shared>>
    tpu.enqueue_indirect_dma source(%dma_start3A_29 : memref<10240x32xf32, #tpu.memory_space<vmem_shared>>) target(%arg12 : memref<125x32xf32, #tpu.memory_space<vmem>>) offsets(%dma_start3A_26 : memref<125xi32, #tpu.memory_space<vmem>>) semaphore(%arg16 : memref<!tpu.dma_semaphore, #tpu.memory_space<semaphore_mem>>)
    %dma_start3A_30 = arith.constant 3 : i32
    %dma_start3A_31 = arith.constant 0 : i32
    %dma_start3A_32 = tpu.memref_slice %arg8[%dma_start3A_30, %dma_start3A_31] : memref<80x125xi32, #tpu.memory_space<vmem>> -> memref<1x125xi32, #tpu.memory_space<vmem>>
    %dma_start3A_33 = tpu.memref_squeeze %dma_start3A_32 : memref<1x125xi32, #tpu.memory_space<vmem>> -> memref<125xi32, #tpu.memory_space<vmem>>
    %dma_start3A_34 = arith.constant 0 : i32
    %dma_start3A_35 = arith.constant 0 : i32
    %dma_start3A_36 = tpu.memref_slice %arg6[%dma_start3A_34, %dma_start3A_35] : memref<10240x32xf32, #tpu.memory_space<vmem_shared>> -> memref<10240x32xf32, #tpu.memory_space<vmem_shared>>
    tpu.enqueue_indirect_dma source(%dma_start3A_36 : memref<10240x32xf32, #tpu.memory_space<vmem_shared>>) target(%arg13 : memref<125x32xf32, #tpu.memory_space<vmem>>) offsets(%dma_start3A_33 : memref<125xi32, #tpu.memory_space<vmem>>) semaphore(%arg17 : memref<!tpu.dma_semaphore, #tpu.memory_space<semaphore_mem>>)
    %scan3A = arith.constant 0 : i32
    %scan3A_37 = arith.constant 0 : i32
    %scan3A_38 = arith.constant 20 : i32
    %scan3A_39 = arith.addi %scan3A_37, %scan3A_38 : i32
    %scan3A_40 = arith.constant 1 : i32
    scf.for %scan3A_70 = %scan3A_37 to %scan3A_39 step %scan3A_40  : i32 {
      %mul3A_71 = arith.constant 4 : i32
      %mul3A_72 = arith.muli %mul3A_71, %scan3A_70 : i32
      %add3A_73 = arith.constant 0 : i32
      %add3A_74 = arith.addi %mul3A_72, %add3A_73 : i32
      %dma_wait3A_75 = arith.constant 0 : i32
      %dma_wait3A_76 = tpu.memref_slice %arg8[%add3A_74, %dma_wait3A_75] : memref<80x125xi32, #tpu.memory_space<vmem>> -> memref<1x125xi32, #tpu.memory_space<vmem>>
      %dma_wait3A_77 = tpu.memref_squeeze %dma_wait3A_76 : memref<1x125xi32, #tpu.memory_space<vmem>> -> memref<125xi32, #tpu.memory_space<vmem>>
      %dma_wait3A_78 = arith.constant 0 : i32
      %dma_wait3A_79 = arith.constant 0 : i32
      %dma_wait3A_80 = tpu.memref_slice %arg6[%dma_wait3A_78, %dma_wait3A_79] : memref<10240x32xf32, #tpu.memory_space<vmem_shared>> -> memref<10240x32xf32, #tpu.memory_space<vmem_shared>>
      tpu.wait_indirect_dma semaphore(%arg14 : memref<!tpu.dma_semaphore, #tpu.memory_space<semaphore_mem>>) src(%dma_wait3A_80 : memref<10240x32xf32, #tpu.memory_space<vmem_shared>>) dst(%arg10 : memref<125x32xf32, #tpu.memory_space<vmem>>)
      "tpu.region"() ({
        %run_scoped3A_150 = tpu.sem_alloc : memref<!tpu.dma_semaphore, #tpu.memory_space<semaphore_mem>>
        %dma_start3A_151 = arith.constant 0 : i32
        %dma_start3A_152 = tpu.memref_slice %arg9[%add3A_74, %dma_start3A_151] : memref<80x125xi32, #tpu.memory_space<vmem>> -> memref<1x125xi32, #tpu.memory_space<vmem>>
        %dma_start3A_153 = tpu.memref_squeeze %dma_start3A_152 : memref<1x125xi32, #tpu.memory_space<vmem>> -> memref<125xi32, #tpu.memory_space<vmem>>
        %dma_start3A_154 = arith.constant 0 : i32
        %dma_start3A_155 = arith.constant 0 : i32
        %dma_start3A_156 = tpu.memref_slice %arg7[%dma_start3A_154, %dma_start3A_155] : memref<10240x32xf32, #tpu.memory_space<vmem_shared>> -> memref<10240x32xf32, #tpu.memory_space<vmem_shared>>
        tpu.enqueue_indirect_dma source(%arg10 : memref<125x32xf32, #tpu.memory_space<vmem>>) target(%dma_start3A_156 : memref<10240x32xf32, #tpu.memory_space<vmem_shared>>) offsets(%dma_start3A_153 : memref<125xi32, #tpu.memory_space<vmem>>) semaphore(%run_scoped3A_150 : memref<!tpu.dma_semaphore, #tpu.memory_space<semaphore_mem>>) {add = true}
        %dma_wait3A_157 = arith.constant 0 : i32
        %dma_wait3A_158 = tpu.memref_slice %arg9[%add3A_74, %dma_wait3A_157] : memref<80x125xi32, #tpu.memory_space<vmem>> -> memref<1x125xi32, #tpu.memory_space<vmem>>
        %dma_wait3A_159 = tpu.memref_squeeze %dma_wait3A_158 : memref<1x125xi32, #tpu.memory_space<vmem>> -> memref<125xi32, #tpu.memory_space<vmem>>
        %dma_wait3A_160 = arith.constant 0 : i32
        %dma_wait3A_161 = arith.constant 0 : i32
        %dma_wait3A_162 = tpu.memref_slice %arg7[%dma_wait3A_160, %dma_wait3A_161] : memref<10240x32xf32, #tpu.memory_space<vmem_shared>> -> memref<10240x32xf32, #tpu.memory_space<vmem_shared>>
        tpu.wait_indirect_dma semaphore(%run_scoped3A_150 : memref<!tpu.dma_semaphore, #tpu.memory_space<semaphore_mem>>) src(%arg10 : memref<125x32xf32, #tpu.memory_space<vmem>>) dst(%dma_wait3A_162 : memref<10240x32xf32, #tpu.memory_space<vmem_shared>>)
        tpu.yield
      }) : () -> ()
      %add3A_81 = arith.constant 4 : i32
      %add3A_82 = arith.addi %add3A_74, %add3A_81 : i32
      %min3A = arith.constant 79 : i32
      %min3A_83 = arith.minsi %add3A_82, %min3A : i32
      %dma_start3A_84 = arith.constant 0 : i32
      %dma_start3A_85 = tpu.memref_slice %arg8[%min3A_83, %dma_start3A_84] : memref<80x125xi32, #tpu.memory_space<vmem>> -> memref<1x125xi32, #tpu.memory_space<vmem>>
      %dma_start3A_86 = tpu.memref_squeeze %dma_start3A_85 : memref<1x125xi32, #tpu.memory_space<vmem>> -> memref<125xi32, #tpu.memory_space<vmem>>
      %dma_start3A_87 = arith.constant 0 : i32
      %dma_start3A_88 = arith.constant 0 : i32
      %dma_start3A_89 = tpu.memref_slice %arg6[%dma_start3A_87, %dma_start3A_88] : memref<10240x32xf32, #tpu.memory_space<vmem_shared>> -> memref<10240x32xf32, #tpu.memory_space<vmem_shared>>
      tpu.enqueue_indirect_dma source(%dma_start3A_89 : memref<10240x32xf32, #tpu.memory_space<vmem_shared>>) target(%arg10 : memref<125x32xf32, #tpu.memory_space<vmem>>) offsets(%dma_start3A_86 : memref<125xi32, #tpu.memory_space<vmem>>) semaphore(%arg14 : memref<!tpu.dma_semaphore, #tpu.memory_space<semaphore_mem>>)
      %mul3A_90 = arith.constant 4 : i32
      %mul3A_91 = arith.muli %mul3A_90, %scan3A_70 : i32
      %add3A_92 = arith.constant 1 : i32
      %add3A_93 = arith.addi %mul3A_91, %add3A_92 : i32
      %dma_wait3A_94 = arith.constant 0 : i32
      %dma_wait3A_95 = tpu.memref_slice %arg8[%add3A_93, %dma_wait3A_94] : memref<80x125xi32, #tpu.memory_space<vmem>> -> memref<1x125xi32, #tpu.memory_space<vmem>>
      %dma_wait3A_96 = tpu.memref_squeeze %dma_wait3A_95 : memref<1x125xi32, #tpu.memory_space<vmem>> -> memref<125xi32, #tpu.memory_space<vmem>>
      %dma_wait3A_97 = arith.constant 0 : i32
      %dma_wait3A_98 = arith.constant 0 : i32
      %dma_wait3A_99 = tpu.memref_slice %arg6[%dma_wait3A_97, %dma_wait3A_98] : memref<10240x32xf32, #tpu.memory_space<vmem_shared>> -> memref<10240x32xf32, #tpu.memory_space<vmem_shared>>
      tpu.wait_indirect_dma semaphore(%arg15 : memref<!tpu.dma_semaphore, #tpu.memory_space<semaphore_mem>>) src(%dma_wait3A_99 : memref<10240x32xf32, #tpu.memory_space<vmem_shared>>) dst(%arg11 : memref<125x32xf32, #tpu.memory_space<vmem>>)
      "tpu.region"() ({
        %run_scoped3A_150 = tpu.sem_alloc : memref<!tpu.dma_semaphore, #tpu.memory_space<semaphore_mem>>
        %dma_start3A_151 = arith.constant 0 : i32
        %dma_start3A_152 = tpu.memref_slice %arg9[%add3A_93, %dma_start3A_151] : memref<80x125xi32, #tpu.memory_space<vmem>> -> memref<1x125xi32, #tpu.memory_space<vmem>>
        %dma_start3A_153 = tpu.memref_squeeze %dma_start3A_152 : memref<1x125xi32, #tpu.memory_space<vmem>> -> memref<125xi32, #tpu.memory_space<vmem>>
        %dma_start3A_154 = arith.constant 0 : i32
        %dma_start3A_155 = arith.constant 0 : i32
        %dma_start3A_156 = tpu.memref_slice %arg7[%dma_start3A_154, %dma_start3A_155] : memref<10240x32xf32, #tpu.memory_space<vmem_shared>> -> memref<10240x32xf32, #tpu.memory_space<vmem_shared>>
        tpu.enqueue_indirect_dma source(%arg11 : memref<125x32xf32, #tpu.memory_space<vmem>>) target(%dma_start3A_156 : memref<10240x32xf32, #tpu.memory_space<vmem_shared>>) offsets(%dma_start3A_153 : memref<125xi32, #tpu.memory_space<vmem>>) semaphore(%run_scoped3A_150 : memref<!tpu.dma_semaphore, #tpu.memory_space<semaphore_mem>>) {add = true}
        %dma_wait3A_157 = arith.constant 0 : i32
        %dma_wait3A_158 = tpu.memref_slice %arg9[%add3A_93, %dma_wait3A_157] : memref<80x125xi32, #tpu.memory_space<vmem>> -> memref<1x125xi32, #tpu.memory_space<vmem>>
        %dma_wait3A_159 = tpu.memref_squeeze %dma_wait3A_158 : memref<1x125xi32, #tpu.memory_space<vmem>> -> memref<125xi32, #tpu.memory_space<vmem>>
        %dma_wait3A_160 = arith.constant 0 : i32
        %dma_wait3A_161 = arith.constant 0 : i32
        %dma_wait3A_162 = tpu.memref_slice %arg7[%dma_wait3A_160, %dma_wait3A_161] : memref<10240x32xf32, #tpu.memory_space<vmem_shared>> -> memref<10240x32xf32, #tpu.memory_space<vmem_shared>>
        tpu.wait_indirect_dma semaphore(%run_scoped3A_150 : memref<!tpu.dma_semaphore, #tpu.memory_space<semaphore_mem>>) src(%arg11 : memref<125x32xf32, #tpu.memory_space<vmem>>) dst(%dma_wait3A_162 : memref<10240x32xf32, #tpu.memory_space<vmem_shared>>)
        tpu.yield
      }) : () -> ()
      %add3A_100 = arith.constant 4 : i32
      %add3A_101 = arith.addi %add3A_93, %add3A_100 : i32
      %min3A_102 = arith.constant 79 : i32
      %min3A_103 = arith.minsi %add3A_101, %min3A_102 : i32
      %dma_start3A_104 = arith.constant 0 : i32
      %dma_start3A_105 = tpu.memref_slice %arg8[%min3A_103, %dma_start3A_104] : memref<80x125xi32, #tpu.memory_space<vmem>> -> memref<1x125xi32, #tpu.memory_space<vmem>>
      %dma_start3A_106 = tpu.memref_squeeze %dma_start3A_105 : memref<1x125xi32, #tpu.memory_space<vmem>> -> memref<125xi32, #tpu.memory_space<vmem>>
      %dma_start3A_107 = arith.constant 0 : i32
      %dma_start3A_108 = arith.constant 0 : i32
      %dma_start3A_109 = tpu.memref_slice %arg6[%dma_start3A_107, %dma_start3A_108] : memref<10240x32xf32, #tpu.memory_space<vmem_shared>> -> memref<10240x32xf32, #tpu.memory_space<vmem_shared>>
      tpu.enqueue_indirect_dma source(%dma_start3A_109 : memref<10240x32xf32, #tpu.memory_space<vmem_shared>>) target(%arg11 : memref<125x32xf32, #tpu.memory_space<vmem>>) offsets(%dma_start3A_106 : memref<125xi32, #tpu.memory_space<vmem>>) semaphore(%arg15 : memref<!tpu.dma_semaphore, #tpu.memory_space<semaphore_mem>>)
      %mul3A_110 = arith.constant 4 : i32
      %mul3A_111 = arith.muli %mul3A_110, %scan3A_70 : i32
      %add3A_112 = arith.constant 2 : i32
      %add3A_113 = arith.addi %mul3A_111, %add3A_112 : i32
      %dma_wait3A_114 = arith.constant 0 : i32
      %dma_wait3A_115 = tpu.memref_slice %arg8[%add3A_113, %dma_wait3A_114] : memref<80x125xi32, #tpu.memory_space<vmem>> -> memref<1x125xi32, #tpu.memory_space<vmem>>
      %dma_wait3A_116 = tpu.memref_squeeze %dma_wait3A_115 : memref<1x125xi32, #tpu.memory_space<vmem>> -> memref<125xi32, #tpu.memory_space<vmem>>
      %dma_wait3A_117 = arith.constant 0 : i32
      %dma_wait3A_118 = arith.constant 0 : i32
      %dma_wait3A_119 = tpu.memref_slice %arg6[%dma_wait3A_117, %dma_wait3A_118] : memref<10240x32xf32, #tpu.memory_space<vmem_shared>> -> memref<10240x32xf32, #tpu.memory_space<vmem_shared>>
      tpu.wait_indirect_dma semaphore(%arg16 : memref<!tpu.dma_semaphore, #tpu.memory_space<semaphore_mem>>) src(%dma_wait3A_119 : memref<10240x32xf32, #tpu.memory_space<vmem_shared>>) dst(%arg12 : memref<125x32xf32, #tpu.memory_space<vmem>>)
      "tpu.region"() ({
        %run_scoped3A_150 = tpu.sem_alloc : memref<!tpu.dma_semaphore, #tpu.memory_space<semaphore_mem>>
        %dma_start3A_151 = arith.constant 0 : i32
        %dma_start3A_152 = tpu.memref_slice %arg9[%add3A_113, %dma_start3A_151] : memref<80x125xi32, #tpu.memory_space<vmem>> -> memref<1x125xi32, #tpu.memory_space<vmem>>
        %dma_start3A_153 = tpu.memref_squeeze %dma_start3A_152 : memref<1x125xi32, #tpu.memory_space<vmem>> -> memref<125xi32, #tpu.memory_space<vmem>>
        %dma_start3A_154 = arith.constant 0 : i32
        %dma_start3A_155 = arith.constant 0 : i32
        %dma_start3A_156 = tpu.memref_slice %arg7[%dma_start3A_154, %dma_start3A_155] : memref<10240x32xf32, #tpu.memory_space<vmem_shared>> -> memref<10240x32xf32, #tpu.memory_space<vmem_shared>>
        tpu.enqueue_indirect_dma source(%arg12 : memref<125x32xf32, #tpu.memory_space<vmem>>) target(%dma_start3A_156 : memref<10240x32xf32, #tpu.memory_space<vmem_shared>>) offsets(%dma_start3A_153 : memref<125xi32, #tpu.memory_space<vmem>>) semaphore(%run_scoped3A_150 : memref<!tpu.dma_semaphore, #tpu.memory_space<semaphore_mem>>) {add = true}
        %dma_wait3A_157 = arith.constant 0 : i32
        %dma_wait3A_158 = tpu.memref_slice %arg9[%add3A_113, %dma_wait3A_157] : memref<80x125xi32, #tpu.memory_space<vmem>> -> memref<1x125xi32, #tpu.memory_space<vmem>>
        %dma_wait3A_159 = tpu.memref_squeeze %dma_wait3A_158 : memref<1x125xi32, #tpu.memory_space<vmem>> -> memref<125xi32, #tpu.memory_space<vmem>>
        %dma_wait3A_160 = arith.constant 0 : i32
        %dma_wait3A_161 = arith.constant 0 : i32
        %dma_wait3A_162 = tpu.memref_slice %arg7[%dma_wait3A_160, %dma_wait3A_161] : memref<10240x32xf32, #tpu.memory_space<vmem_shared>> -> memref<10240x32xf32, #tpu.memory_space<vmem_shared>>
        tpu.wait_indirect_dma semaphore(%run_scoped3A_150 : memref<!tpu.dma_semaphore, #tpu.memory_space<semaphore_mem>>) src(%arg12 : memref<125x32xf32, #tpu.memory_space<vmem>>) dst(%dma_wait3A_162 : memref<10240x32xf32, #tpu.memory_space<vmem_shared>>)
        tpu.yield
      }) : () -> ()
      %add3A_120 = arith.constant 4 : i32
      %add3A_121 = arith.addi %add3A_113, %add3A_120 : i32
      %min3A_122 = arith.constant 79 : i32
      %min3A_123 = arith.minsi %add3A_121, %min3A_122 : i32
      %dma_start3A_124 = arith.constant 0 : i32
      %dma_start3A_125 = tpu.memref_slice %arg8[%min3A_123, %dma_start3A_124] : memref<80x125xi32, #tpu.memory_space<vmem>> -> memref<1x125xi32, #tpu.memory_space<vmem>>
      %dma_start3A_126 = tpu.memref_squeeze %dma_start3A_125 : memref<1x125xi32, #tpu.memory_space<vmem>> -> memref<125xi32, #tpu.memory_space<vmem>>
      %dma_start3A_127 = arith.constant 0 : i32
      %dma_start3A_128 = arith.constant 0 : i32
      %dma_start3A_129 = tpu.memref_slice %arg6[%dma_start3A_127, %dma_start3A_128] : memref<10240x32xf32, #tpu.memory_space<vmem_shared>> -> memref<10240x32xf32, #tpu.memory_space<vmem_shared>>
      tpu.enqueue_indirect_dma source(%dma_start3A_129 : memref<10240x32xf32, #tpu.memory_space<vmem_shared>>) target(%arg12 : memref<125x32xf32, #tpu.memory_space<vmem>>) offsets(%dma_start3A_126 : memref<125xi32, #tpu.memory_space<vmem>>) semaphore(%arg16 : memref<!tpu.dma_semaphore, #tpu.memory_space<semaphore_mem>>)
      %mul3A_130 = arith.constant 4 : i32
      %mul3A_131 = arith.muli %mul3A_130, %scan3A_70 : i32
      %add3A_132 = arith.constant 3 : i32
      %add3A_133 = arith.addi %mul3A_131, %add3A_132 : i32
      %dma_wait3A_134 = arith.constant 0 : i32
      %dma_wait3A_135 = tpu.memref_slice %arg8[%add3A_133, %dma_wait3A_134] : memref<80x125xi32, #tpu.memory_space<vmem>> -> memref<1x125xi32, #tpu.memory_space<vmem>>
      %dma_wait3A_136 = tpu.memref_squeeze %dma_wait3A_135 : memref<1x125xi32, #tpu.memory_space<vmem>> -> memref<125xi32, #tpu.memory_space<vmem>>
      %dma_wait3A_137 = arith.constant 0 : i32
      %dma_wait3A_138 = arith.constant 0 : i32
      %dma_wait3A_139 = tpu.memref_slice %arg6[%dma_wait3A_137, %dma_wait3A_138] : memref<10240x32xf32, #tpu.memory_space<vmem_shared>> -> memref<10240x32xf32, #tpu.memory_space<vmem_shared>>
      tpu.wait_indirect_dma semaphore(%arg17 : memref<!tpu.dma_semaphore, #tpu.memory_space<semaphore_mem>>) src(%dma_wait3A_139 : memref<10240x32xf32, #tpu.memory_space<vmem_shared>>) dst(%arg13 : memref<125x32xf32, #tpu.memory_space<vmem>>)
      "tpu.region"() ({
        %run_scoped3A_150 = tpu.sem_alloc : memref<!tpu.dma_semaphore, #tpu.memory_space<semaphore_mem>>
        %dma_start3A_151 = arith.constant 0 : i32
        %dma_start3A_152 = tpu.memref_slice %arg9[%add3A_133, %dma_start3A_151] : memref<80x125xi32, #tpu.memory_space<vmem>> -> memref<1x125xi32, #tpu.memory_space<vmem>>
        %dma_start3A_153 = tpu.memref_squeeze %dma_start3A_152 : memref<1x125xi32, #tpu.memory_space<vmem>> -> memref<125xi32, #tpu.memory_space<vmem>>
        %dma_start3A_154 = arith.constant 0 : i32
        %dma_start3A_155 = arith.constant 0 : i32
        %dma_start3A_156 = tpu.memref_slice %arg7[%dma_start3A_154, %dma_start3A_155] : memref<10240x32xf32, #tpu.memory_space<vmem_shared>> -> memref<10240x32xf32, #tpu.memory_space<vmem_shared>>
        tpu.enqueue_indirect_dma source(%arg13 : memref<125x32xf32, #tpu.memory_space<vmem>>) target(%dma_start3A_156 : memref<10240x32xf32, #tpu.memory_space<vmem_shared>>) offsets(%dma_start3A_153 : memref<125xi32, #tpu.memory_space<vmem>>) semaphore(%run_scoped3A_150 : memref<!tpu.dma_semaphore, #tpu.memory_space<semaphore_mem>>) {add = true}
        %dma_wait3A_157 = arith.constant 0 : i32
        %dma_wait3A_158 = tpu.memref_slice %arg9[%add3A_133, %dma_wait3A_157] : memref<80x125xi32, #tpu.memory_space<vmem>> -> memref<1x125xi32, #tpu.memory_space<vmem>>
        %dma_wait3A_159 = tpu.memref_squeeze %dma_wait3A_158 : memref<1x125xi32, #tpu.memory_space<vmem>> -> memref<125xi32, #tpu.memory_space<vmem>>
        %dma_wait3A_160 = arith.constant 0 : i32
        %dma_wait3A_161 = arith.constant 0 : i32
        %dma_wait3A_162 = tpu.memref_slice %arg7[%dma_wait3A_160, %dma_wait3A_161] : memref<10240x32xf32, #tpu.memory_space<vmem_shared>> -> memref<10240x32xf32, #tpu.memory_space<vmem_shared>>
        tpu.wait_indirect_dma semaphore(%run_scoped3A_150 : memref<!tpu.dma_semaphore, #tpu.memory_space<semaphore_mem>>) src(%arg13 : memref<125x32xf32, #tpu.memory_space<vmem>>) dst(%dma_wait3A_162 : memref<10240x32xf32, #tpu.memory_space<vmem_shared>>)
        tpu.yield
      }) : () -> ()
      %add3A_140 = arith.constant 4 : i32
      %add3A_141 = arith.addi %add3A_133, %add3A_140 : i32
      %min3A_142 = arith.constant 79 : i32
      %min3A_143 = arith.minsi %add3A_141, %min3A_142 : i32
      %dma_start3A_144 = arith.constant 0 : i32
      %dma_start3A_145 = tpu.memref_slice %arg8[%min3A_143, %dma_start3A_144] : memref<80x125xi32, #tpu.memory_space<vmem>> -> memref<1x125xi32, #tpu.memory_space<vmem>>
      %dma_start3A_146 = tpu.memref_squeeze %dma_start3A_145 : memref<1x125xi32, #tpu.memory_space<vmem>> -> memref<125xi32, #tpu.memory_space<vmem>>
      %dma_start3A_147 = arith.constant 0 : i32
      %dma_start3A_148 = arith.constant 0 : i32
      %dma_start3A_149 = tpu.memref_slice %arg6[%dma_start3A_147, %dma_start3A_148] : memref<10240x32xf32, #tpu.memory_space<vmem_shared>> -> memref<10240x32xf32, #tpu.memory_space<vmem_shared>>
      tpu.enqueue_indirect_dma source(%dma_start3A_149 : memref<10240x32xf32, #tpu.memory_space<vmem_shared>>) target(%arg13 : memref<125x32xf32, #tpu.memory_space<vmem>>) offsets(%dma_start3A_146 : memref<125xi32, #tpu.memory_space<vmem>>) semaphore(%arg17 : memref<!tpu.dma_semaphore, #tpu.memory_space<semaphore_mem>>)
    }
    %scan3A_41 = arith.constant 20 : i32
    %dma_wait3A = arith.constant 0 : i32
    %dma_wait3A_42 = arith.constant 0 : i32
    %dma_wait3A_43 = tpu.memref_slice %arg8[%dma_wait3A, %dma_wait3A_42] : memref<80x125xi32, #tpu.memory_space<vmem>> -> memref<1x125xi32, #tpu.memory_space<vmem>>
    %dma_wait3A_44 = tpu.memref_squeeze %dma_wait3A_43 : memref<1x125xi32, #tpu.memory_space<vmem>> -> memref<125xi32, #tpu.memory_space<vmem>>
    %dma_wait3A_45 = arith.constant 0 : i32
    %dma_wait3A_46 = arith.constant 0 : i32
    %dma_wait3A_47 = tpu.memref_slice %arg6[%dma_wait3A_45, %dma_wait3A_46] : memref<10240x32xf32, #tpu.memory_space<vmem_shared>> -> memref<10240x32xf32, #tpu.memory_space<vmem_shared>>
    tpu.wait_indirect_dma semaphore(%arg14 : memref<!tpu.dma_semaphore, #tpu.memory_space<semaphore_mem>>) src(%dma_wait3A_47 : memref<10240x32xf32, #tpu.memory_space<vmem_shared>>) dst(%arg10 : memref<125x32xf32, #tpu.memory_space<vmem>>)
    %dma_wait3A_48 = arith.constant 0 : i32
    %dma_wait3A_49 = arith.constant 0 : i32
    %dma_wait3A_50 = tpu.memref_slice %arg8[%dma_wait3A_48, %dma_wait3A_49] : memref<80x125xi32, #tpu.memory_space<vmem>> -> memref<1x125xi32, #tpu.memory_space<vmem>>
    %dma_wait3A_51 = tpu.memref_squeeze %dma_wait3A_50 : memref<1x125xi32, #tpu.memory_space<vmem>> -> memref<125xi32, #tpu.memory_space<vmem>>
    %dma_wait3A_52 = arith.constant 0 : i32
    %dma_wait3A_53 = arith.constant 0 : i32
    %dma_wait3A_54 = tpu.memref_slice %arg6[%dma_wait3A_52, %dma_wait3A_53] : memref<10240x32xf32, #tpu.memory_space<vmem_shared>> -> memref<10240x32xf32, #tpu.memory_space<vmem_shared>>
    tpu.wait_indirect_dma semaphore(%arg15 : memref<!tpu.dma_semaphore, #tpu.memory_space<semaphore_mem>>) src(%dma_wait3A_54 : memref<10240x32xf32, #tpu.memory_space<vmem_shared>>) dst(%arg11 : memref<125x32xf32, #tpu.memory_space<vmem>>)
    %dma_wait3A_55 = arith.constant 0 : i32
    %dma_wait3A_56 = arith.constant 0 : i32
    %dma_wait3A_57 = tpu.memref_slice %arg8[%dma_wait3A_55, %dma_wait3A_56] : memref<80x125xi32, #tpu.memory_space<vmem>> -> memref<1x125xi32, #tpu.memory_space<vmem>>
    %dma_wait3A_58 = tpu.memref_squeeze %dma_wait3A_57 : memref<1x125xi32, #tpu.memory_space<vmem>> -> memref<125xi32, #tpu.memory_space<vmem>>
    %dma_wait3A_59 = arith.constant 0 : i32
    %dma_wait3A_60 = arith.constant 0 : i32
    %dma_wait3A_61 = tpu.memref_slice %arg6[%dma_wait3A_59, %dma_wait3A_60] : memref<10240x32xf32, #tpu.memory_space<vmem_shared>> -> memref<10240x32xf32, #tpu.memory_space<vmem_shared>>
    tpu.wait_indirect_dma semaphore(%arg16 : memref<!tpu.dma_semaphore, #tpu.memory_space<semaphore_mem>>) src(%dma_wait3A_61 : memref<10240x32xf32, #tpu.memory_space<vmem_shared>>) dst(%arg12 : memref<125x32xf32, #tpu.memory_space<vmem>>)
    %dma_wait3A_62 = arith.constant 0 : i32
    %dma_wait3A_63 = arith.constant 0 : i32
    %dma_wait3A_64 = tpu.memref_slice %arg8[%dma_wait3A_62, %dma_wait3A_63] : memref<80x125xi32, #tpu.memory_space<vmem>> -> memref<1x125xi32, #tpu.memory_space<vmem>>
    %dma_wait3A_65 = tpu.memref_squeeze %dma_wait3A_64 : memref<1x125xi32, #tpu.memory_space<vmem>> -> memref<125xi32, #tpu.memory_space<vmem>>
    %dma_wait3A_66 = arith.constant 0 : i32
    %dma_wait3A_67 = arith.constant 0 : i32
    %dma_wait3A_68 = tpu.memref_slice %arg6[%dma_wait3A_66, %dma_wait3A_67] : memref<10240x32xf32, #tpu.memory_space<vmem_shared>> -> memref<10240x32xf32, #tpu.memory_space<vmem_shared>>
    tpu.wait_indirect_dma semaphore(%arg17 : memref<!tpu.dma_semaphore, #tpu.memory_space<semaphore_mem>>) src(%dma_wait3A_68 : memref<10240x32xf32, #tpu.memory_space<vmem_shared>>) dst(%arg13 : memref<125x32xf32, #tpu.memory_space<vmem>>)
    %barrier3A_69 = arith.constant 0 : index
    tpu.barrier barrier_id(%barrier3A_69)
    "tpu.region"() ({
      %run_scoped3A_70 = tpu.sem_alloc : memref<!tpu.dma_semaphore, #tpu.memory_space<semaphore_mem>>
      %dma_start3A_71 = arith.constant 0 : i32
      %dma_start3A_72 = tpu.memref_slice %arg5[%arg0, %mul3A_2, %dma_start3A_71] : memref<2x10240x32xf32, #tpu.memory_space<hbm>> -> memref<1x640x32xf32, #tpu.memory_space<hbm>>
      %dma_start3A_73 = tpu.memref_squeeze %dma_start3A_72 : memref<1x640x32xf32, #tpu.memory_space<hbm>> -> memref<640x32xf32, #tpu.memory_space<hbm>>
      %dma_start3A_74 = arith.constant 0 : i32
      %dma_start3A_75 = tpu.memref_slice %arg7[%mul3A_2, %dma_start3A_74] : memref<10240x32xf32, #tpu.memory_space<vmem_shared>> -> memref<640x32xf32, #tpu.memory_space<vmem_shared>>
      tpu.enqueue_dma source(%dma_start3A_75 : memref<640x32xf32, #tpu.memory_space<vmem_shared>>) target(%dma_start3A_73 : memref<640x32xf32, #tpu.memory_space<hbm>>) target_semaphore(%run_scoped3A_70 : memref<!tpu.dma_semaphore, #tpu.memory_space<semaphore_mem>>)
      %dma_wait3A_76 = arith.constant 0 : i32
      %dma_wait3A_77 = tpu.memref_slice %arg5[%arg0, %mul3A_2, %dma_wait3A_76] : memref<2x10240x32xf32, #tpu.memory_space<hbm>> -> memref<1x640x32xf32, #tpu.memory_space<hbm>>
      %dma_wait3A_78 = tpu.memref_squeeze %dma_wait3A_77 : memref<1x640x32xf32, #tpu.memory_space<hbm>> -> memref<640x32xf32, #tpu.memory_space<hbm>>
      %dma_wait3A_79 = arith.constant 0 : i32
      %dma_wait3A_80 = tpu.memref_slice %arg7[%mul3A_2, %dma_wait3A_79] : memref<10240x32xf32, #tpu.memory_space<vmem_shared>> -> memref<640x32xf32, #tpu.memory_space<vmem_shared>>
      tpu.wait_dma2 semaphore(%run_scoped3A_70 : memref<!tpu.dma_semaphore, #tpu.memory_space<semaphore_mem>>) src(%dma_wait3A_80 : memref<640x32xf32, #tpu.memory_space<vmem_shared>>) dst(%dma_wait3A_78 : memref<640x32xf32, #tpu.memory_space<hbm>>)
      tpu.yield
    }) : () -> ()
    return
  }
}

#map = affine_map<(d0, d1) -> (0, 0, 0, 0)>
#map1 = affine_map<(d0, d1) -> (0, 0)>
#map2 = affine_map<(d0, d1) -> (0, 0, 0)>
module attributes {stable_mosaic.version = 14 : i64} {
  func.func @_sc_agg(%arg0: i32, %arg1: i32, %arg2: memref<2x32x80x125xi32, #tpu.memory_space<hbm>>, %arg3: memref<10000x16xf32, #tpu.memory_space<hbm>>, %arg4: memref<640x16xf32, #tpu.memory_space<hbm>>, %arg5: memref<2x10240x16xf32, #tpu.memory_space<hbm>>, %arg6: memref<10240x16xf32, #tpu.memory_space<vmem_shared>>, %arg7: memref<10240x16xf32, #tpu.memory_space<vmem_shared>>, %arg8: memref<80x125xi32, #tpu.memory_space<vmem>>, %arg9: memref<80x125xi32, #tpu.memory_space<vmem>>, %arg10: memref<125x16xf32, #tpu.memory_space<vmem>>, %arg11: memref<125x16xf32, #tpu.memory_space<vmem>>, %arg12: memref<125x16xf32, #tpu.memory_space<vmem>>, %arg13: memref<125x16xf32, #tpu.memory_space<vmem>>, %arg14: memref<!tpu.dma_semaphore, #tpu.memory_space<semaphore_mem>>, %arg15: memref<!tpu.dma_semaphore, #tpu.memory_space<semaphore_mem>>, %arg16: memref<!tpu.dma_semaphore, #tpu.memory_space<semaphore_mem>>, %arg17: memref<!tpu.dma_semaphore, #tpu.memory_space<semaphore_mem>>) attributes {dimension_semantics = [#tpu.dimension_semantics<core_parallel>, #tpu.dimension_semantics<subcore_parallel>], iteration_bounds = array<i64: 2, 16>, scalar_prefetch = 0 : i64, scratch_operands = 12 : i64, tpu.core_type = #tpu.core_type<sc_vector_subcore>, window_params = [{transform_indices = #map}, {transform_indices = #map1}, {transform_indices = #map1}, {transform_indices = #map2}]} {
    %mul3A = arith.constant 16 : i32
    %mul3A_0 = arith.muli %arg0, %mul3A : i32
    %add3A = arith.addi %mul3A_0, %arg1 : i32
    %mul3A_1 = arith.constant 640 : i32
    %mul3A_2 = arith.muli %arg1, %mul3A_1 : i32
    %lt3A = arith.constant 15 : i32
    %lt3A_3 = arith.cmpi slt, %arg1, %lt3A : i32
    %convert_element_type3A = arith.extui %lt3A_3 : i1 to i32
    %cond3A = arith.constant 0 : i32
    %cond3A_4 = arith.cmpi ne, %convert_element_type3A, %cond3A : i32
    scf.if %cond3A_4 {
      "tpu.region"() ({
        %run_scoped3A_70 = tpu.sem_alloc : memref<!tpu.dma_semaphore, #tpu.memory_space<semaphore_mem>>
        %dma_start3A_71 = arith.constant 0 : i32
        %dma_start3A_72 = tpu.memref_slice %arg6[%mul3A_2, %dma_start3A_71] : memref<10240x16xf32, #tpu.memory_space<vmem_shared>> -> memref<640x16xf32, #tpu.memory_space<vmem_shared>>
        %dma_start3A_73 = arith.constant 0 : i32
        %dma_start3A_74 = tpu.memref_slice %arg3[%mul3A_2, %dma_start3A_73] : memref<10000x16xf32, #tpu.memory_space<hbm>> -> memref<640x16xf32, #tpu.memory_space<hbm>>
        tpu.enqueue_dma source(%dma_start3A_74 : memref<640x16xf32, #tpu.memory_space<hbm>>) target(%dma_start3A_72 : memref<640x16xf32, #tpu.memory_space<vmem_shared>>) target_semaphore(%run_scoped3A_70 : memref<!tpu.dma_semaphore, #tpu.memory_space<semaphore_mem>>)
        %dma_wait3A_75 = arith.constant 0 : i32
        %dma_wait3A_76 = tpu.memref_slice %arg6[%mul3A_2, %dma_wait3A_75] : memref<10240x16xf32, #tpu.memory_space<vmem_shared>> -> memref<640x16xf32, #tpu.memory_space<vmem_shared>>
        %dma_wait3A_77 = arith.constant 0 : i32
        %dma_wait3A_78 = tpu.memref_slice %arg3[%mul3A_2, %dma_wait3A_77] : memref<10000x16xf32, #tpu.memory_space<hbm>> -> memref<640x16xf32, #tpu.memory_space<hbm>>
        tpu.wait_dma2 semaphore(%run_scoped3A_70 : memref<!tpu.dma_semaphore, #tpu.memory_space<semaphore_mem>>) src(%dma_wait3A_78 : memref<640x16xf32, #tpu.memory_space<hbm>>) dst(%dma_wait3A_76 : memref<640x16xf32, #tpu.memory_space<vmem_shared>>)
        tpu.yield
      }) : () -> ()
    } else {
    }
    %eq3A = arith.constant 15 : i32
    %eq3A_5 = arith.cmpi eq, %arg1, %eq3A : i32
    %convert_element_type3A_6 = arith.extui %eq3A_5 : i1 to i32
    %cond3A_7 = arith.constant 0 : i32
    %cond3A_8 = arith.cmpi ne, %convert_element_type3A_6, %cond3A_7 : i32
    scf.if %cond3A_8 {
      "tpu.region"() ({
        %run_scoped3A_70 = tpu.sem_alloc : memref<!tpu.dma_semaphore, #tpu.memory_space<semaphore_mem>>
        %dma_start3A_71 = arith.constant 0 : i32
        %dma_start3A_72 = tpu.memref_slice %arg6[%mul3A_2, %dma_start3A_71] : memref<10240x16xf32, #tpu.memory_space<vmem_shared>> -> memref<400x16xf32, #tpu.memory_space<vmem_shared>>
        %dma_start3A_73 = arith.constant 0 : i32
        %dma_start3A_74 = tpu.memref_slice %arg3[%mul3A_2, %dma_start3A_73] : memref<10000x16xf32, #tpu.memory_space<hbm>> -> memref<400x16xf32, #tpu.memory_space<hbm>>
        tpu.enqueue_dma source(%dma_start3A_74 : memref<400x16xf32, #tpu.memory_space<hbm>>) target(%dma_start3A_72 : memref<400x16xf32, #tpu.memory_space<vmem_shared>>) target_semaphore(%run_scoped3A_70 : memref<!tpu.dma_semaphore, #tpu.memory_space<semaphore_mem>>)
        %dma_wait3A_75 = arith.constant 0 : i32
        %dma_wait3A_76 = tpu.memref_slice %arg6[%mul3A_2, %dma_wait3A_75] : memref<10240x16xf32, #tpu.memory_space<vmem_shared>> -> memref<400x16xf32, #tpu.memory_space<vmem_shared>>
        %dma_wait3A_77 = arith.constant 0 : i32
        %dma_wait3A_78 = tpu.memref_slice %arg3[%mul3A_2, %dma_wait3A_77] : memref<10000x16xf32, #tpu.memory_space<hbm>> -> memref<400x16xf32, #tpu.memory_space<hbm>>
        tpu.wait_dma2 semaphore(%run_scoped3A_70 : memref<!tpu.dma_semaphore, #tpu.memory_space<semaphore_mem>>) src(%dma_wait3A_78 : memref<400x16xf32, #tpu.memory_space<hbm>>) dst(%dma_wait3A_76 : memref<400x16xf32, #tpu.memory_space<vmem_shared>>)
        tpu.yield
      }) : () -> ()
    } else {
    }
    "tpu.region"() ({
      %run_scoped3A_70 = tpu.sem_alloc : memref<!tpu.dma_semaphore, #tpu.memory_space<semaphore_mem>>
      %dma_start3A_71 = arith.constant 0 : i32
      %dma_start3A_72 = tpu.memref_slice %arg7[%mul3A_2, %dma_start3A_71] : memref<10240x16xf32, #tpu.memory_space<vmem_shared>> -> memref<640x16xf32, #tpu.memory_space<vmem_shared>>
      tpu.enqueue_dma source(%arg4 : memref<640x16xf32, #tpu.memory_space<hbm>>) target(%dma_start3A_72 : memref<640x16xf32, #tpu.memory_space<vmem_shared>>) target_semaphore(%run_scoped3A_70 : memref<!tpu.dma_semaphore, #tpu.memory_space<semaphore_mem>>)
      %dma_wait3A_73 = arith.constant 0 : i32
      %dma_wait3A_74 = tpu.memref_slice %arg7[%mul3A_2, %dma_wait3A_73] : memref<10240x16xf32, #tpu.memory_space<vmem_shared>> -> memref<640x16xf32, #tpu.memory_space<vmem_shared>>
      tpu.wait_dma2 semaphore(%run_scoped3A_70 : memref<!tpu.dma_semaphore, #tpu.memory_space<semaphore_mem>>) src(%arg4 : memref<640x16xf32, #tpu.memory_space<hbm>>) dst(%dma_wait3A_74 : memref<640x16xf32, #tpu.memory_space<vmem_shared>>)
      tpu.yield
    }) : () -> ()
    %run_scoped3A = arith.constant 0 : i32
    "tpu.region"() ({
      %run_scoped3A_70 = tpu.sem_alloc : memref<!tpu.dma_semaphore, #tpu.memory_space<semaphore_mem>>
      %dma_start3A_71 = arith.constant 0 : i32
      %dma_start3A_72 = arith.constant 0 : i32
      %dma_start3A_73 = tpu.memref_slice %arg2[%run_scoped3A, %add3A, %dma_start3A_71, %dma_start3A_72] : memref<2x32x80x125xi32, #tpu.memory_space<hbm>> -> memref<1x1x80x125xi32, #tpu.memory_space<hbm>>
      %dma_start3A_74 = tpu.memref_squeeze %dma_start3A_73 : memref<1x1x80x125xi32, #tpu.memory_space<hbm>> -> memref<80x125xi32, #tpu.memory_space<hbm>>
      %dma_start3A_75 = arith.constant 0 : i32
      %dma_start3A_76 = arith.constant 0 : i32
      %dma_start3A_77 = tpu.memref_slice %arg2[%run_scoped3A, %add3A, %dma_start3A_75, %dma_start3A_76] : memref<2x32x80x125xi32, #tpu.memory_space<hbm>> -> memref<1x1x80x125xi32, #tpu.memory_space<hbm>>
      %dma_start3A_78 = tpu.memref_squeeze %dma_start3A_77 : memref<1x1x80x125xi32, #tpu.memory_space<hbm>> -> memref<80x125xi32, #tpu.memory_space<hbm>>
      tpu.enqueue_dma source(%dma_start3A_78 : memref<80x125xi32, #tpu.memory_space<hbm>>) target(%arg8 : memref<80x125xi32, #tpu.memory_space<vmem>>) target_semaphore(%run_scoped3A_70 : memref<!tpu.dma_semaphore, #tpu.memory_space<semaphore_mem>>)
      %dma_wait3A_79 = arith.constant 0 : i32
      %dma_wait3A_80 = arith.constant 0 : i32
      %dma_wait3A_81 = tpu.memref_slice %arg2[%run_scoped3A, %add3A, %dma_wait3A_79, %dma_wait3A_80] : memref<2x32x80x125xi32, #tpu.memory_space<hbm>> -> memref<1x1x80x125xi32, #tpu.memory_space<hbm>>
      %dma_wait3A_82 = tpu.memref_squeeze %dma_wait3A_81 : memref<1x1x80x125xi32, #tpu.memory_space<hbm>> -> memref<80x125xi32, #tpu.memory_space<hbm>>
      %dma_wait3A_83 = arith.constant 0 : i32
      %dma_wait3A_84 = arith.constant 0 : i32
      %dma_wait3A_85 = tpu.memref_slice %arg2[%run_scoped3A, %add3A, %dma_wait3A_83, %dma_wait3A_84] : memref<2x32x80x125xi32, #tpu.memory_space<hbm>> -> memref<1x1x80x125xi32, #tpu.memory_space<hbm>>
      %dma_wait3A_86 = tpu.memref_squeeze %dma_wait3A_85 : memref<1x1x80x125xi32, #tpu.memory_space<hbm>> -> memref<80x125xi32, #tpu.memory_space<hbm>>
      tpu.wait_dma2 semaphore(%run_scoped3A_70 : memref<!tpu.dma_semaphore, #tpu.memory_space<semaphore_mem>>) src(%dma_wait3A_86 : memref<80x125xi32, #tpu.memory_space<hbm>>) dst(%arg8 : memref<80x125xi32, #tpu.memory_space<vmem>>)
      tpu.yield
    }) : () -> ()
    %run_scoped3A_9 = arith.constant 1 : i32
    "tpu.region"() ({
      %run_scoped3A_70 = tpu.sem_alloc : memref<!tpu.dma_semaphore, #tpu.memory_space<semaphore_mem>>
      %dma_start3A_71 = arith.constant 0 : i32
      %dma_start3A_72 = arith.constant 0 : i32
      %dma_start3A_73 = tpu.memref_slice %arg2[%run_scoped3A_9, %add3A, %dma_start3A_71, %dma_start3A_72] : memref<2x32x80x125xi32, #tpu.memory_space<hbm>> -> memref<1x1x80x125xi32, #tpu.memory_space<hbm>>
      %dma_start3A_74 = tpu.memref_squeeze %dma_start3A_73 : memref<1x1x80x125xi32, #tpu.memory_space<hbm>> -> memref<80x125xi32, #tpu.memory_space<hbm>>
      %dma_start3A_75 = arith.constant 0 : i32
      %dma_start3A_76 = arith.constant 0 : i32
      %dma_start3A_77 = tpu.memref_slice %arg2[%run_scoped3A_9, %add3A, %dma_start3A_75, %dma_start3A_76] : memref<2x32x80x125xi32, #tpu.memory_space<hbm>> -> memref<1x1x80x125xi32, #tpu.memory_space<hbm>>
      %dma_start3A_78 = tpu.memref_squeeze %dma_start3A_77 : memref<1x1x80x125xi32, #tpu.memory_space<hbm>> -> memref<80x125xi32, #tpu.memory_space<hbm>>
      tpu.enqueue_dma source(%dma_start3A_78 : memref<80x125xi32, #tpu.memory_space<hbm>>) target(%arg9 : memref<80x125xi32, #tpu.memory_space<vmem>>) target_semaphore(%run_scoped3A_70 : memref<!tpu.dma_semaphore, #tpu.memory_space<semaphore_mem>>)
      %dma_wait3A_79 = arith.constant 0 : i32
      %dma_wait3A_80 = arith.constant 0 : i32
      %dma_wait3A_81 = tpu.memref_slice %arg2[%run_scoped3A_9, %add3A, %dma_wait3A_79, %dma_wait3A_80] : memref<2x32x80x125xi32, #tpu.memory_space<hbm>> -> memref<1x1x80x125xi32, #tpu.memory_space<hbm>>
      %dma_wait3A_82 = tpu.memref_squeeze %dma_wait3A_81 : memref<1x1x80x125xi32, #tpu.memory_space<hbm>> -> memref<80x125xi32, #tpu.memory_space<hbm>>
      %dma_wait3A_83 = arith.constant 0 : i32
      %dma_wait3A_84 = arith.constant 0 : i32
      %dma_wait3A_85 = tpu.memref_slice %arg2[%run_scoped3A_9, %add3A, %dma_wait3A_83, %dma_wait3A_84] : memref<2x32x80x125xi32, #tpu.memory_space<hbm>> -> memref<1x1x80x125xi32, #tpu.memory_space<hbm>>
      %dma_wait3A_86 = tpu.memref_squeeze %dma_wait3A_85 : memref<1x1x80x125xi32, #tpu.memory_space<hbm>> -> memref<80x125xi32, #tpu.memory_space<hbm>>
      tpu.wait_dma2 semaphore(%run_scoped3A_70 : memref<!tpu.dma_semaphore, #tpu.memory_space<semaphore_mem>>) src(%dma_wait3A_86 : memref<80x125xi32, #tpu.memory_space<hbm>>) dst(%arg9 : memref<80x125xi32, #tpu.memory_space<vmem>>)
      tpu.yield
    }) : () -> ()
    %barrier3A = arith.constant 0 : index
    tpu.barrier barrier_id(%barrier3A)
    %dma_start3A = arith.constant 0 : i32
    %dma_start3A_10 = arith.constant 0 : i32
    %dma_start3A_11 = tpu.memref_slice %arg8[%dma_start3A, %dma_start3A_10] : memref<80x125xi32, #tpu.memory_space<vmem>> -> memref<1x125xi32, #tpu.memory_space<vmem>>
    %dma_start3A_12 = tpu.memref_squeeze %dma_start3A_11 : memref<1x125xi32, #tpu.memory_space<vmem>> -> memref<125xi32, #tpu.memory_space<vmem>>
    %dma_start3A_13 = arith.constant 0 : i32
    %dma_start3A_14 = arith.constant 0 : i32
    %dma_start3A_15 = tpu.memref_slice %arg6[%dma_start3A_13, %dma_start3A_14] : memref<10240x16xf32, #tpu.memory_space<vmem_shared>> -> memref<10240x16xf32, #tpu.memory_space<vmem_shared>>
    tpu.enqueue_indirect_dma source(%dma_start3A_15 : memref<10240x16xf32, #tpu.memory_space<vmem_shared>>) target(%arg10 : memref<125x16xf32, #tpu.memory_space<vmem>>) offsets(%dma_start3A_12 : memref<125xi32, #tpu.memory_space<vmem>>) semaphore(%arg14 : memref<!tpu.dma_semaphore, #tpu.memory_space<semaphore_mem>>)
    %dma_start3A_16 = arith.constant 1 : i32
    %dma_start3A_17 = arith.constant 0 : i32
    %dma_start3A_18 = tpu.memref_slice %arg8[%dma_start3A_16, %dma_start3A_17] : memref<80x125xi32, #tpu.memory_space<vmem>> -> memref<1x125xi32, #tpu.memory_space<vmem>>
    %dma_start3A_19 = tpu.memref_squeeze %dma_start3A_18 : memref<1x125xi32, #tpu.memory_space<vmem>> -> memref<125xi32, #tpu.memory_space<vmem>>
    %dma_start3A_20 = arith.constant 0 : i32
    %dma_start3A_21 = arith.constant 0 : i32
    %dma_start3A_22 = tpu.memref_slice %arg6[%dma_start3A_20, %dma_start3A_21] : memref<10240x16xf32, #tpu.memory_space<vmem_shared>> -> memref<10240x16xf32, #tpu.memory_space<vmem_shared>>
    tpu.enqueue_indirect_dma source(%dma_start3A_22 : memref<10240x16xf32, #tpu.memory_space<vmem_shared>>) target(%arg11 : memref<125x16xf32, #tpu.memory_space<vmem>>) offsets(%dma_start3A_19 : memref<125xi32, #tpu.memory_space<vmem>>) semaphore(%arg15 : memref<!tpu.dma_semaphore, #tpu.memory_space<semaphore_mem>>)
    %dma_start3A_23 = arith.constant 2 : i32
    %dma_start3A_24 = arith.constant 0 : i32
    %dma_start3A_25 = tpu.memref_slice %arg8[%dma_start3A_23, %dma_start3A_24] : memref<80x125xi32, #tpu.memory_space<vmem>> -> memref<1x125xi32, #tpu.memory_space<vmem>>
    %dma_start3A_26 = tpu.memref_squeeze %dma_start3A_25 : memref<1x125xi32, #tpu.memory_space<vmem>> -> memref<125xi32, #tpu.memory_space<vmem>>
    %dma_start3A_27 = arith.constant 0 : i32
    %dma_start3A_28 = arith.constant 0 : i32
    %dma_start3A_29 = tpu.memref_slice %arg6[%dma_start3A_27, %dma_start3A_28] : memref<10240x16xf32, #tpu.memory_space<vmem_shared>> -> memref<10240x16xf32, #tpu.memory_space<vmem_shared>>
    tpu.enqueue_indirect_dma source(%dma_start3A_29 : memref<10240x16xf32, #tpu.memory_space<vmem_shared>>) target(%arg12 : memref<125x16xf32, #tpu.memory_space<vmem>>) offsets(%dma_start3A_26 : memref<125xi32, #tpu.memory_space<vmem>>) semaphore(%arg16 : memref<!tpu.dma_semaphore, #tpu.memory_space<semaphore_mem>>)
    %dma_start3A_30 = arith.constant 3 : i32
    %dma_start3A_31 = arith.constant 0 : i32
    %dma_start3A_32 = tpu.memref_slice %arg8[%dma_start3A_30, %dma_start3A_31] : memref<80x125xi32, #tpu.memory_space<vmem>> -> memref<1x125xi32, #tpu.memory_space<vmem>>
    %dma_start3A_33 = tpu.memref_squeeze %dma_start3A_32 : memref<1x125xi32, #tpu.memory_space<vmem>> -> memref<125xi32, #tpu.memory_space<vmem>>
    %dma_start3A_34 = arith.constant 0 : i32
    %dma_start3A_35 = arith.constant 0 : i32
    %dma_start3A_36 = tpu.memref_slice %arg6[%dma_start3A_34, %dma_start3A_35] : memref<10240x16xf32, #tpu.memory_space<vmem_shared>> -> memref<10240x16xf32, #tpu.memory_space<vmem_shared>>
    tpu.enqueue_indirect_dma source(%dma_start3A_36 : memref<10240x16xf32, #tpu.memory_space<vmem_shared>>) target(%arg13 : memref<125x16xf32, #tpu.memory_space<vmem>>) offsets(%dma_start3A_33 : memref<125xi32, #tpu.memory_space<vmem>>) semaphore(%arg17 : memref<!tpu.dma_semaphore, #tpu.memory_space<semaphore_mem>>)
    %scan3A = arith.constant 0 : i32
    %scan3A_37 = arith.constant 0 : i32
    %scan3A_38 = arith.constant 20 : i32
    %scan3A_39 = arith.addi %scan3A_37, %scan3A_38 : i32
    %scan3A_40 = arith.constant 1 : i32
    scf.for %scan3A_70 = %scan3A_37 to %scan3A_39 step %scan3A_40  : i32 {
      %mul3A_71 = arith.constant 4 : i32
      %mul3A_72 = arith.muli %mul3A_71, %scan3A_70 : i32
      %add3A_73 = arith.constant 0 : i32
      %add3A_74 = arith.addi %mul3A_72, %add3A_73 : i32
      %dma_wait3A_75 = arith.constant 0 : i32
      %dma_wait3A_76 = tpu.memref_slice %arg8[%add3A_74, %dma_wait3A_75] : memref<80x125xi32, #tpu.memory_space<vmem>> -> memref<1x125xi32, #tpu.memory_space<vmem>>
      %dma_wait3A_77 = tpu.memref_squeeze %dma_wait3A_76 : memref<1x125xi32, #tpu.memory_space<vmem>> -> memref<125xi32, #tpu.memory_space<vmem>>
      %dma_wait3A_78 = arith.constant 0 : i32
      %dma_wait3A_79 = arith.constant 0 : i32
      %dma_wait3A_80 = tpu.memref_slice %arg6[%dma_wait3A_78, %dma_wait3A_79] : memref<10240x16xf32, #tpu.memory_space<vmem_shared>> -> memref<10240x16xf32, #tpu.memory_space<vmem_shared>>
      tpu.wait_indirect_dma semaphore(%arg14 : memref<!tpu.dma_semaphore, #tpu.memory_space<semaphore_mem>>) src(%dma_wait3A_80 : memref<10240x16xf32, #tpu.memory_space<vmem_shared>>) dst(%arg10 : memref<125x16xf32, #tpu.memory_space<vmem>>)
      "tpu.region"() ({
        %run_scoped3A_150 = tpu.sem_alloc : memref<!tpu.dma_semaphore, #tpu.memory_space<semaphore_mem>>
        %dma_start3A_151 = arith.constant 0 : i32
        %dma_start3A_152 = tpu.memref_slice %arg9[%add3A_74, %dma_start3A_151] : memref<80x125xi32, #tpu.memory_space<vmem>> -> memref<1x125xi32, #tpu.memory_space<vmem>>
        %dma_start3A_153 = tpu.memref_squeeze %dma_start3A_152 : memref<1x125xi32, #tpu.memory_space<vmem>> -> memref<125xi32, #tpu.memory_space<vmem>>
        %dma_start3A_154 = arith.constant 0 : i32
        %dma_start3A_155 = arith.constant 0 : i32
        %dma_start3A_156 = tpu.memref_slice %arg7[%dma_start3A_154, %dma_start3A_155] : memref<10240x16xf32, #tpu.memory_space<vmem_shared>> -> memref<10240x16xf32, #tpu.memory_space<vmem_shared>>
        tpu.enqueue_indirect_dma source(%arg10 : memref<125x16xf32, #tpu.memory_space<vmem>>) target(%dma_start3A_156 : memref<10240x16xf32, #tpu.memory_space<vmem_shared>>) offsets(%dma_start3A_153 : memref<125xi32, #tpu.memory_space<vmem>>) semaphore(%run_scoped3A_150 : memref<!tpu.dma_semaphore, #tpu.memory_space<semaphore_mem>>) {add = true}
        %dma_wait3A_157 = arith.constant 0 : i32
        %dma_wait3A_158 = tpu.memref_slice %arg9[%add3A_74, %dma_wait3A_157] : memref<80x125xi32, #tpu.memory_space<vmem>> -> memref<1x125xi32, #tpu.memory_space<vmem>>
        %dma_wait3A_159 = tpu.memref_squeeze %dma_wait3A_158 : memref<1x125xi32, #tpu.memory_space<vmem>> -> memref<125xi32, #tpu.memory_space<vmem>>
        %dma_wait3A_160 = arith.constant 0 : i32
        %dma_wait3A_161 = arith.constant 0 : i32
        %dma_wait3A_162 = tpu.memref_slice %arg7[%dma_wait3A_160, %dma_wait3A_161] : memref<10240x16xf32, #tpu.memory_space<vmem_shared>> -> memref<10240x16xf32, #tpu.memory_space<vmem_shared>>
        tpu.wait_indirect_dma semaphore(%run_scoped3A_150 : memref<!tpu.dma_semaphore, #tpu.memory_space<semaphore_mem>>) src(%arg10 : memref<125x16xf32, #tpu.memory_space<vmem>>) dst(%dma_wait3A_162 : memref<10240x16xf32, #tpu.memory_space<vmem_shared>>)
        tpu.yield
      }) : () -> ()
      %add3A_81 = arith.constant 4 : i32
      %add3A_82 = arith.addi %add3A_74, %add3A_81 : i32
      %min3A = arith.constant 79 : i32
      %min3A_83 = arith.minsi %add3A_82, %min3A : i32
      %dma_start3A_84 = arith.constant 0 : i32
      %dma_start3A_85 = tpu.memref_slice %arg8[%min3A_83, %dma_start3A_84] : memref<80x125xi32, #tpu.memory_space<vmem>> -> memref<1x125xi32, #tpu.memory_space<vmem>>
      %dma_start3A_86 = tpu.memref_squeeze %dma_start3A_85 : memref<1x125xi32, #tpu.memory_space<vmem>> -> memref<125xi32, #tpu.memory_space<vmem>>
      %dma_start3A_87 = arith.constant 0 : i32
      %dma_start3A_88 = arith.constant 0 : i32
      %dma_start3A_89 = tpu.memref_slice %arg6[%dma_start3A_87, %dma_start3A_88] : memref<10240x16xf32, #tpu.memory_space<vmem_shared>> -> memref<10240x16xf32, #tpu.memory_space<vmem_shared>>
      tpu.enqueue_indirect_dma source(%dma_start3A_89 : memref<10240x16xf32, #tpu.memory_space<vmem_shared>>) target(%arg10 : memref<125x16xf32, #tpu.memory_space<vmem>>) offsets(%dma_start3A_86 : memref<125xi32, #tpu.memory_space<vmem>>) semaphore(%arg14 : memref<!tpu.dma_semaphore, #tpu.memory_space<semaphore_mem>>)
      %mul3A_90 = arith.constant 4 : i32
      %mul3A_91 = arith.muli %mul3A_90, %scan3A_70 : i32
      %add3A_92 = arith.constant 1 : i32
      %add3A_93 = arith.addi %mul3A_91, %add3A_92 : i32
      %dma_wait3A_94 = arith.constant 0 : i32
      %dma_wait3A_95 = tpu.memref_slice %arg8[%add3A_93, %dma_wait3A_94] : memref<80x125xi32, #tpu.memory_space<vmem>> -> memref<1x125xi32, #tpu.memory_space<vmem>>
      %dma_wait3A_96 = tpu.memref_squeeze %dma_wait3A_95 : memref<1x125xi32, #tpu.memory_space<vmem>> -> memref<125xi32, #tpu.memory_space<vmem>>
      %dma_wait3A_97 = arith.constant 0 : i32
      %dma_wait3A_98 = arith.constant 0 : i32
      %dma_wait3A_99 = tpu.memref_slice %arg6[%dma_wait3A_97, %dma_wait3A_98] : memref<10240x16xf32, #tpu.memory_space<vmem_shared>> -> memref<10240x16xf32, #tpu.memory_space<vmem_shared>>
      tpu.wait_indirect_dma semaphore(%arg15 : memref<!tpu.dma_semaphore, #tpu.memory_space<semaphore_mem>>) src(%dma_wait3A_99 : memref<10240x16xf32, #tpu.memory_space<vmem_shared>>) dst(%arg11 : memref<125x16xf32, #tpu.memory_space<vmem>>)
      "tpu.region"() ({
        %run_scoped3A_150 = tpu.sem_alloc : memref<!tpu.dma_semaphore, #tpu.memory_space<semaphore_mem>>
        %dma_start3A_151 = arith.constant 0 : i32
        %dma_start3A_152 = tpu.memref_slice %arg9[%add3A_93, %dma_start3A_151] : memref<80x125xi32, #tpu.memory_space<vmem>> -> memref<1x125xi32, #tpu.memory_space<vmem>>
        %dma_start3A_153 = tpu.memref_squeeze %dma_start3A_152 : memref<1x125xi32, #tpu.memory_space<vmem>> -> memref<125xi32, #tpu.memory_space<vmem>>
        %dma_start3A_154 = arith.constant 0 : i32
        %dma_start3A_155 = arith.constant 0 : i32
        %dma_start3A_156 = tpu.memref_slice %arg7[%dma_start3A_154, %dma_start3A_155] : memref<10240x16xf32, #tpu.memory_space<vmem_shared>> -> memref<10240x16xf32, #tpu.memory_space<vmem_shared>>
        tpu.enqueue_indirect_dma source(%arg11 : memref<125x16xf32, #tpu.memory_space<vmem>>) target(%dma_start3A_156 : memref<10240x16xf32, #tpu.memory_space<vmem_shared>>) offsets(%dma_start3A_153 : memref<125xi32, #tpu.memory_space<vmem>>) semaphore(%run_scoped3A_150 : memref<!tpu.dma_semaphore, #tpu.memory_space<semaphore_mem>>) {add = true}
        %dma_wait3A_157 = arith.constant 0 : i32
        %dma_wait3A_158 = tpu.memref_slice %arg9[%add3A_93, %dma_wait3A_157] : memref<80x125xi32, #tpu.memory_space<vmem>> -> memref<1x125xi32, #tpu.memory_space<vmem>>
        %dma_wait3A_159 = tpu.memref_squeeze %dma_wait3A_158 : memref<1x125xi32, #tpu.memory_space<vmem>> -> memref<125xi32, #tpu.memory_space<vmem>>
        %dma_wait3A_160 = arith.constant 0 : i32
        %dma_wait3A_161 = arith.constant 0 : i32
        %dma_wait3A_162 = tpu.memref_slice %arg7[%dma_wait3A_160, %dma_wait3A_161] : memref<10240x16xf32, #tpu.memory_space<vmem_shared>> -> memref<10240x16xf32, #tpu.memory_space<vmem_shared>>
        tpu.wait_indirect_dma semaphore(%run_scoped3A_150 : memref<!tpu.dma_semaphore, #tpu.memory_space<semaphore_mem>>) src(%arg11 : memref<125x16xf32, #tpu.memory_space<vmem>>) dst(%dma_wait3A_162 : memref<10240x16xf32, #tpu.memory_space<vmem_shared>>)
        tpu.yield
      }) : () -> ()
      %add3A_100 = arith.constant 4 : i32
      %add3A_101 = arith.addi %add3A_93, %add3A_100 : i32
      %min3A_102 = arith.constant 79 : i32
      %min3A_103 = arith.minsi %add3A_101, %min3A_102 : i32
      %dma_start3A_104 = arith.constant 0 : i32
      %dma_start3A_105 = tpu.memref_slice %arg8[%min3A_103, %dma_start3A_104] : memref<80x125xi32, #tpu.memory_space<vmem>> -> memref<1x125xi32, #tpu.memory_space<vmem>>
      %dma_start3A_106 = tpu.memref_squeeze %dma_start3A_105 : memref<1x125xi32, #tpu.memory_space<vmem>> -> memref<125xi32, #tpu.memory_space<vmem>>
      %dma_start3A_107 = arith.constant 0 : i32
      %dma_start3A_108 = arith.constant 0 : i32
      %dma_start3A_109 = tpu.memref_slice %arg6[%dma_start3A_107, %dma_start3A_108] : memref<10240x16xf32, #tpu.memory_space<vmem_shared>> -> memref<10240x16xf32, #tpu.memory_space<vmem_shared>>
      tpu.enqueue_indirect_dma source(%dma_start3A_109 : memref<10240x16xf32, #tpu.memory_space<vmem_shared>>) target(%arg11 : memref<125x16xf32, #tpu.memory_space<vmem>>) offsets(%dma_start3A_106 : memref<125xi32, #tpu.memory_space<vmem>>) semaphore(%arg15 : memref<!tpu.dma_semaphore, #tpu.memory_space<semaphore_mem>>)
      %mul3A_110 = arith.constant 4 : i32
      %mul3A_111 = arith.muli %mul3A_110, %scan3A_70 : i32
      %add3A_112 = arith.constant 2 : i32
      %add3A_113 = arith.addi %mul3A_111, %add3A_112 : i32
      %dma_wait3A_114 = arith.constant 0 : i32
      %dma_wait3A_115 = tpu.memref_slice %arg8[%add3A_113, %dma_wait3A_114] : memref<80x125xi32, #tpu.memory_space<vmem>> -> memref<1x125xi32, #tpu.memory_space<vmem>>
      %dma_wait3A_116 = tpu.memref_squeeze %dma_wait3A_115 : memref<1x125xi32, #tpu.memory_space<vmem>> -> memref<125xi32, #tpu.memory_space<vmem>>
      %dma_wait3A_117 = arith.constant 0 : i32
      %dma_wait3A_118 = arith.constant 0 : i32
      %dma_wait3A_119 = tpu.memref_slice %arg6[%dma_wait3A_117, %dma_wait3A_118] : memref<10240x16xf32, #tpu.memory_space<vmem_shared>> -> memref<10240x16xf32, #tpu.memory_space<vmem_shared>>
      tpu.wait_indirect_dma semaphore(%arg16 : memref<!tpu.dma_semaphore, #tpu.memory_space<semaphore_mem>>) src(%dma_wait3A_119 : memref<10240x16xf32, #tpu.memory_space<vmem_shared>>) dst(%arg12 : memref<125x16xf32, #tpu.memory_space<vmem>>)
      "tpu.region"() ({
        %run_scoped3A_150 = tpu.sem_alloc : memref<!tpu.dma_semaphore, #tpu.memory_space<semaphore_mem>>
        %dma_start3A_151 = arith.constant 0 : i32
        %dma_start3A_152 = tpu.memref_slice %arg9[%add3A_113, %dma_start3A_151] : memref<80x125xi32, #tpu.memory_space<vmem>> -> memref<1x125xi32, #tpu.memory_space<vmem>>
        %dma_start3A_153 = tpu.memref_squeeze %dma_start3A_152 : memref<1x125xi32, #tpu.memory_space<vmem>> -> memref<125xi32, #tpu.memory_space<vmem>>
        %dma_start3A_154 = arith.constant 0 : i32
        %dma_start3A_155 = arith.constant 0 : i32
        %dma_start3A_156 = tpu.memref_slice %arg7[%dma_start3A_154, %dma_start3A_155] : memref<10240x16xf32, #tpu.memory_space<vmem_shared>> -> memref<10240x16xf32, #tpu.memory_space<vmem_shared>>
        tpu.enqueue_indirect_dma source(%arg12 : memref<125x16xf32, #tpu.memory_space<vmem>>) target(%dma_start3A_156 : memref<10240x16xf32, #tpu.memory_space<vmem_shared>>) offsets(%dma_start3A_153 : memref<125xi32, #tpu.memory_space<vmem>>) semaphore(%run_scoped3A_150 : memref<!tpu.dma_semaphore, #tpu.memory_space<semaphore_mem>>) {add = true}
        %dma_wait3A_157 = arith.constant 0 : i32
        %dma_wait3A_158 = tpu.memref_slice %arg9[%add3A_113, %dma_wait3A_157] : memref<80x125xi32, #tpu.memory_space<vmem>> -> memref<1x125xi32, #tpu.memory_space<vmem>>
        %dma_wait3A_159 = tpu.memref_squeeze %dma_wait3A_158 : memref<1x125xi32, #tpu.memory_space<vmem>> -> memref<125xi32, #tpu.memory_space<vmem>>
        %dma_wait3A_160 = arith.constant 0 : i32
        %dma_wait3A_161 = arith.constant 0 : i32
        %dma_wait3A_162 = tpu.memref_slice %arg7[%dma_wait3A_160, %dma_wait3A_161] : memref<10240x16xf32, #tpu.memory_space<vmem_shared>> -> memref<10240x16xf32, #tpu.memory_space<vmem_shared>>
        tpu.wait_indirect_dma semaphore(%run_scoped3A_150 : memref<!tpu.dma_semaphore, #tpu.memory_space<semaphore_mem>>) src(%arg12 : memref<125x16xf32, #tpu.memory_space<vmem>>) dst(%dma_wait3A_162 : memref<10240x16xf32, #tpu.memory_space<vmem_shared>>)
        tpu.yield
      }) : () -> ()
      %add3A_120 = arith.constant 4 : i32
      %add3A_121 = arith.addi %add3A_113, %add3A_120 : i32
      %min3A_122 = arith.constant 79 : i32
      %min3A_123 = arith.minsi %add3A_121, %min3A_122 : i32
      %dma_start3A_124 = arith.constant 0 : i32
      %dma_start3A_125 = tpu.memref_slice %arg8[%min3A_123, %dma_start3A_124] : memref<80x125xi32, #tpu.memory_space<vmem>> -> memref<1x125xi32, #tpu.memory_space<vmem>>
      %dma_start3A_126 = tpu.memref_squeeze %dma_start3A_125 : memref<1x125xi32, #tpu.memory_space<vmem>> -> memref<125xi32, #tpu.memory_space<vmem>>
      %dma_start3A_127 = arith.constant 0 : i32
      %dma_start3A_128 = arith.constant 0 : i32
      %dma_start3A_129 = tpu.memref_slice %arg6[%dma_start3A_127, %dma_start3A_128] : memref<10240x16xf32, #tpu.memory_space<vmem_shared>> -> memref<10240x16xf32, #tpu.memory_space<vmem_shared>>
      tpu.enqueue_indirect_dma source(%dma_start3A_129 : memref<10240x16xf32, #tpu.memory_space<vmem_shared>>) target(%arg12 : memref<125x16xf32, #tpu.memory_space<vmem>>) offsets(%dma_start3A_126 : memref<125xi32, #tpu.memory_space<vmem>>) semaphore(%arg16 : memref<!tpu.dma_semaphore, #tpu.memory_space<semaphore_mem>>)
      %mul3A_130 = arith.constant 4 : i32
      %mul3A_131 = arith.muli %mul3A_130, %scan3A_70 : i32
      %add3A_132 = arith.constant 3 : i32
      %add3A_133 = arith.addi %mul3A_131, %add3A_132 : i32
      %dma_wait3A_134 = arith.constant 0 : i32
      %dma_wait3A_135 = tpu.memref_slice %arg8[%add3A_133, %dma_wait3A_134] : memref<80x125xi32, #tpu.memory_space<vmem>> -> memref<1x125xi32, #tpu.memory_space<vmem>>
      %dma_wait3A_136 = tpu.memref_squeeze %dma_wait3A_135 : memref<1x125xi32, #tpu.memory_space<vmem>> -> memref<125xi32, #tpu.memory_space<vmem>>
      %dma_wait3A_137 = arith.constant 0 : i32
      %dma_wait3A_138 = arith.constant 0 : i32
      %dma_wait3A_139 = tpu.memref_slice %arg6[%dma_wait3A_137, %dma_wait3A_138] : memref<10240x16xf32, #tpu.memory_space<vmem_shared>> -> memref<10240x16xf32, #tpu.memory_space<vmem_shared>>
      tpu.wait_indirect_dma semaphore(%arg17 : memref<!tpu.dma_semaphore, #tpu.memory_space<semaphore_mem>>) src(%dma_wait3A_139 : memref<10240x16xf32, #tpu.memory_space<vmem_shared>>) dst(%arg13 : memref<125x16xf32, #tpu.memory_space<vmem>>)
      "tpu.region"() ({
        %run_scoped3A_150 = tpu.sem_alloc : memref<!tpu.dma_semaphore, #tpu.memory_space<semaphore_mem>>
        %dma_start3A_151 = arith.constant 0 : i32
        %dma_start3A_152 = tpu.memref_slice %arg9[%add3A_133, %dma_start3A_151] : memref<80x125xi32, #tpu.memory_space<vmem>> -> memref<1x125xi32, #tpu.memory_space<vmem>>
        %dma_start3A_153 = tpu.memref_squeeze %dma_start3A_152 : memref<1x125xi32, #tpu.memory_space<vmem>> -> memref<125xi32, #tpu.memory_space<vmem>>
        %dma_start3A_154 = arith.constant 0 : i32
        %dma_start3A_155 = arith.constant 0 : i32
        %dma_start3A_156 = tpu.memref_slice %arg7[%dma_start3A_154, %dma_start3A_155] : memref<10240x16xf32, #tpu.memory_space<vmem_shared>> -> memref<10240x16xf32, #tpu.memory_space<vmem_shared>>
        tpu.enqueue_indirect_dma source(%arg13 : memref<125x16xf32, #tpu.memory_space<vmem>>) target(%dma_start3A_156 : memref<10240x16xf32, #tpu.memory_space<vmem_shared>>) offsets(%dma_start3A_153 : memref<125xi32, #tpu.memory_space<vmem>>) semaphore(%run_scoped3A_150 : memref<!tpu.dma_semaphore, #tpu.memory_space<semaphore_mem>>) {add = true}
        %dma_wait3A_157 = arith.constant 0 : i32
        %dma_wait3A_158 = tpu.memref_slice %arg9[%add3A_133, %dma_wait3A_157] : memref<80x125xi32, #tpu.memory_space<vmem>> -> memref<1x125xi32, #tpu.memory_space<vmem>>
        %dma_wait3A_159 = tpu.memref_squeeze %dma_wait3A_158 : memref<1x125xi32, #tpu.memory_space<vmem>> -> memref<125xi32, #tpu.memory_space<vmem>>
        %dma_wait3A_160 = arith.constant 0 : i32
        %dma_wait3A_161 = arith.constant 0 : i32
        %dma_wait3A_162 = tpu.memref_slice %arg7[%dma_wait3A_160, %dma_wait3A_161] : memref<10240x16xf32, #tpu.memory_space<vmem_shared>> -> memref<10240x16xf32, #tpu.memory_space<vmem_shared>>
        tpu.wait_indirect_dma semaphore(%run_scoped3A_150 : memref<!tpu.dma_semaphore, #tpu.memory_space<semaphore_mem>>) src(%arg13 : memref<125x16xf32, #tpu.memory_space<vmem>>) dst(%dma_wait3A_162 : memref<10240x16xf32, #tpu.memory_space<vmem_shared>>)
        tpu.yield
      }) : () -> ()
      %add3A_140 = arith.constant 4 : i32
      %add3A_141 = arith.addi %add3A_133, %add3A_140 : i32
      %min3A_142 = arith.constant 79 : i32
      %min3A_143 = arith.minsi %add3A_141, %min3A_142 : i32
      %dma_start3A_144 = arith.constant 0 : i32
      %dma_start3A_145 = tpu.memref_slice %arg8[%min3A_143, %dma_start3A_144] : memref<80x125xi32, #tpu.memory_space<vmem>> -> memref<1x125xi32, #tpu.memory_space<vmem>>
      %dma_start3A_146 = tpu.memref_squeeze %dma_start3A_145 : memref<1x125xi32, #tpu.memory_space<vmem>> -> memref<125xi32, #tpu.memory_space<vmem>>
      %dma_start3A_147 = arith.constant 0 : i32
      %dma_start3A_148 = arith.constant 0 : i32
      %dma_start3A_149 = tpu.memref_slice %arg6[%dma_start3A_147, %dma_start3A_148] : memref<10240x16xf32, #tpu.memory_space<vmem_shared>> -> memref<10240x16xf32, #tpu.memory_space<vmem_shared>>
      tpu.enqueue_indirect_dma source(%dma_start3A_149 : memref<10240x16xf32, #tpu.memory_space<vmem_shared>>) target(%arg13 : memref<125x16xf32, #tpu.memory_space<vmem>>) offsets(%dma_start3A_146 : memref<125xi32, #tpu.memory_space<vmem>>) semaphore(%arg17 : memref<!tpu.dma_semaphore, #tpu.memory_space<semaphore_mem>>)
    }
    %scan3A_41 = arith.constant 20 : i32
    %dma_wait3A = arith.constant 0 : i32
    %dma_wait3A_42 = arith.constant 0 : i32
    %dma_wait3A_43 = tpu.memref_slice %arg8[%dma_wait3A, %dma_wait3A_42] : memref<80x125xi32, #tpu.memory_space<vmem>> -> memref<1x125xi32, #tpu.memory_space<vmem>>
    %dma_wait3A_44 = tpu.memref_squeeze %dma_wait3A_43 : memref<1x125xi32, #tpu.memory_space<vmem>> -> memref<125xi32, #tpu.memory_space<vmem>>
    %dma_wait3A_45 = arith.constant 0 : i32
    %dma_wait3A_46 = arith.constant 0 : i32
    %dma_wait3A_47 = tpu.memref_slice %arg6[%dma_wait3A_45, %dma_wait3A_46] : memref<10240x16xf32, #tpu.memory_space<vmem_shared>> -> memref<10240x16xf32, #tpu.memory_space<vmem_shared>>
    tpu.wait_indirect_dma semaphore(%arg14 : memref<!tpu.dma_semaphore, #tpu.memory_space<semaphore_mem>>) src(%dma_wait3A_47 : memref<10240x16xf32, #tpu.memory_space<vmem_shared>>) dst(%arg10 : memref<125x16xf32, #tpu.memory_space<vmem>>)
    %dma_wait3A_48 = arith.constant 0 : i32
    %dma_wait3A_49 = arith.constant 0 : i32
    %dma_wait3A_50 = tpu.memref_slice %arg8[%dma_wait3A_48, %dma_wait3A_49] : memref<80x125xi32, #tpu.memory_space<vmem>> -> memref<1x125xi32, #tpu.memory_space<vmem>>
    %dma_wait3A_51 = tpu.memref_squeeze %dma_wait3A_50 : memref<1x125xi32, #tpu.memory_space<vmem>> -> memref<125xi32, #tpu.memory_space<vmem>>
    %dma_wait3A_52 = arith.constant 0 : i32
    %dma_wait3A_53 = arith.constant 0 : i32
    %dma_wait3A_54 = tpu.memref_slice %arg6[%dma_wait3A_52, %dma_wait3A_53] : memref<10240x16xf32, #tpu.memory_space<vmem_shared>> -> memref<10240x16xf32, #tpu.memory_space<vmem_shared>>
    tpu.wait_indirect_dma semaphore(%arg15 : memref<!tpu.dma_semaphore, #tpu.memory_space<semaphore_mem>>) src(%dma_wait3A_54 : memref<10240x16xf32, #tpu.memory_space<vmem_shared>>) dst(%arg11 : memref<125x16xf32, #tpu.memory_space<vmem>>)
    %dma_wait3A_55 = arith.constant 0 : i32
    %dma_wait3A_56 = arith.constant 0 : i32
    %dma_wait3A_57 = tpu.memref_slice %arg8[%dma_wait3A_55, %dma_wait3A_56] : memref<80x125xi32, #tpu.memory_space<vmem>> -> memref<1x125xi32, #tpu.memory_space<vmem>>
    %dma_wait3A_58 = tpu.memref_squeeze %dma_wait3A_57 : memref<1x125xi32, #tpu.memory_space<vmem>> -> memref<125xi32, #tpu.memory_space<vmem>>
    %dma_wait3A_59 = arith.constant 0 : i32
    %dma_wait3A_60 = arith.constant 0 : i32
    %dma_wait3A_61 = tpu.memref_slice %arg6[%dma_wait3A_59, %dma_wait3A_60] : memref<10240x16xf32, #tpu.memory_space<vmem_shared>> -> memref<10240x16xf32, #tpu.memory_space<vmem_shared>>
    tpu.wait_indirect_dma semaphore(%arg16 : memref<!tpu.dma_semaphore, #tpu.memory_space<semaphore_mem>>) src(%dma_wait3A_61 : memref<10240x16xf32, #tpu.memory_space<vmem_shared>>) dst(%arg12 : memref<125x16xf32, #tpu.memory_space<vmem>>)
    %dma_wait3A_62 = arith.constant 0 : i32
    %dma_wait3A_63 = arith.constant 0 : i32
    %dma_wait3A_64 = tpu.memref_slice %arg8[%dma_wait3A_62, %dma_wait3A_63] : memref<80x125xi32, #tpu.memory_space<vmem>> -> memref<1x125xi32, #tpu.memory_space<vmem>>
    %dma_wait3A_65 = tpu.memref_squeeze %dma_wait3A_64 : memref<1x125xi32, #tpu.memory_space<vmem>> -> memref<125xi32, #tpu.memory_space<vmem>>
    %dma_wait3A_66 = arith.constant 0 : i32
    %dma_wait3A_67 = arith.constant 0 : i32
    %dma_wait3A_68 = tpu.memref_slice %arg6[%dma_wait3A_66, %dma_wait3A_67] : memref<10240x16xf32, #tpu.memory_space<vmem_shared>> -> memref<10240x16xf32, #tpu.memory_space<vmem_shared>>
    tpu.wait_indirect_dma semaphore(%arg17 : memref<!tpu.dma_semaphore, #tpu.memory_space<semaphore_mem>>) src(%dma_wait3A_68 : memref<10240x16xf32, #tpu.memory_space<vmem_shared>>) dst(%arg13 : memref<125x16xf32, #tpu.memory_space<vmem>>)
    %barrier3A_69 = arith.constant 0 : index
    tpu.barrier barrier_id(%barrier3A_69)
    "tpu.region"() ({
      %run_scoped3A_70 = tpu.sem_alloc : memref<!tpu.dma_semaphore, #tpu.memory_space<semaphore_mem>>
      %dma_start3A_71 = arith.constant 0 : i32
      %dma_start3A_72 = tpu.memref_slice %arg5[%arg0, %mul3A_2, %dma_start3A_71] : memref<2x10240x16xf32, #tpu.memory_space<hbm>> -> memref<1x640x16xf32, #tpu.memory_space<hbm>>
      %dma_start3A_73 = tpu.memref_squeeze %dma_start3A_72 : memref<1x640x16xf32, #tpu.memory_space<hbm>> -> memref<640x16xf32, #tpu.memory_space<hbm>>
      %dma_start3A_74 = arith.constant 0 : i32
      %dma_start3A_75 = tpu.memref_slice %arg7[%mul3A_2, %dma_start3A_74] : memref<10240x16xf32, #tpu.memory_space<vmem_shared>> -> memref<640x16xf32, #tpu.memory_space<vmem_shared>>
      tpu.enqueue_dma source(%dma_start3A_75 : memref<640x16xf32, #tpu.memory_space<vmem_shared>>) target(%dma_start3A_73 : memref<640x16xf32, #tpu.memory_space<hbm>>) target_semaphore(%run_scoped3A_70 : memref<!tpu.dma_semaphore, #tpu.memory_space<semaphore_mem>>)
      %dma_wait3A_76 = arith.constant 0 : i32
      %dma_wait3A_77 = tpu.memref_slice %arg5[%arg0, %mul3A_2, %dma_wait3A_76] : memref<2x10240x16xf32, #tpu.memory_space<hbm>> -> memref<1x640x16xf32, #tpu.memory_space<hbm>>
      %dma_wait3A_78 = tpu.memref_squeeze %dma_wait3A_77 : memref<1x640x16xf32, #tpu.memory_space<hbm>> -> memref<640x16xf32, #tpu.memory_space<hbm>>
      %dma_wait3A_79 = arith.constant 0 : i32
      %dma_wait3A_80 = tpu.memref_slice %arg7[%mul3A_2, %dma_wait3A_79] : memref<10240x16xf32, #tpu.memory_space<vmem_shared>> -> memref<640x16xf32, #tpu.memory_space<vmem_shared>>
      tpu.wait_dma2 semaphore(%run_scoped3A_70 : memref<!tpu.dma_semaphore, #tpu.memory_space<semaphore_mem>>) src(%dma_wait3A_80 : memref<640x16xf32, #tpu.memory_space<vmem_shared>>) dst(%dma_wait3A_78 : memref<640x16xf32, #tpu.memory_space<hbm>>)
      tpu.yield
    }) : () -> ()
    return
  }
}

module attributes {stable_mosaic.version = 14 : i64} {
  func.func @_tc_m(%arg0: i32, %arg1: memref<10000x128xf32, #tpu.memory_space<vmem>>, %arg2: memref<128x32xf32, #tpu.memory_space<vmem>>, %arg3: memref<10000x32xf32, #tpu.memory_space<vmem>>) attributes {dimension_semantics = [#tpu.dimension_semantics<arbitrary>], iteration_bounds = array<i64: 1>, scalar_prefetch = 0 : i64, scratch_operands = 0 : i64, tpu.core_type = #tpu.core_type<tc>, window_params = [{transform_indices = @transform_0, window_bounds = array<i64: 10000, 128>}, {pipeline_mode = #tpu.pipeline_mode<synchronous>, transform_indices = @transform_1, window_bounds = array<i64: 128, 32>}, {transform_indices = @transform_2, window_bounds = array<i64: 10000, 32>}]} {
    %get3A = arith.constant 0 : index
    %get3A_0 = arith.constant 0 : index
    %get3A_1 = vector.load %arg1[%get3A, %get3A_0] : memref<10000x128xf32, #tpu.memory_space<vmem>>, vector<10000x128xf32>
    %get3A_2 = arith.constant 0 : index
    %get3A_3 = arith.constant 0 : index
    %get3A_4 = vector.load %arg2[%get3A_2, %get3A_3] : memref<128x32xf32, #tpu.memory_space<vmem>>, vector<128x32xf32>
    %dot_general3A = arith.constant dense<0.000000e+00> : vector<10000x32xf32>
    %dot_general3A_5 = tpu.matmul %get3A_1, %get3A_4, %dot_general3A {dimension_numbers = #tpu.dot_dimension_numbers<[1], [0], [0], [1], [0, 0, 1, 1], [], []>, transpose_lhs_hint = false} : vector<10000x128xf32>, vector<128x32xf32>, vector<10000x32xf32> -> vector<10000x32xf32>
    %swap3A = arith.constant 0 : index
    %swap3A_6 = arith.constant 0 : index
    %swap3A_7 = vector.load %arg3[%swap3A, %swap3A_6] : memref<10000x32xf32, #tpu.memory_space<vmem>>, vector<10000x32xf32>
    tpu.vector_store %arg3[%swap3A, %swap3A_6], %dot_general3A_5 {strides = array<i32>} : memref<10000x32xf32, #tpu.memory_space<vmem>>, vector<10000x32xf32>,
    return
  }
  func.func @transform_0(%arg0: i32) -> (i32, i32) {
    %c0_i32 = arith.constant 0 : i32
    %c0_i32_0 = arith.constant 0 : i32
    return %arg0, %c0_i32 : i32, i32
  }
  func.func @transform_1(%arg0: i32) -> (i32, i32) {
    %c0_i32 = arith.constant 0 : i32
    %c0_i32_0 = arith.constant 0 : i32
    %c0_i32_1 = arith.constant 0 : i32
    return %c0_i32, %c0_i32_0 : i32, i32
  }
  func.func @transform_2(%arg0: i32) -> (i32, i32) {
    %c0_i32 = arith.constant 0 : i32
    %c0_i32_0 = arith.constant 0 : i32
    return %arg0, %c0_i32 : i32, i32
  }
}

module attributes {stable_mosaic.version = 14 : i64} {
  func.func @_tc_a(%arg0: i32, %arg1: memref<10000x32xf32, #tpu.memory_space<vmem>>, %arg2: memref<2x10000xf32, #tpu.memory_space<vmem>>, %arg3: memref<10000x32xf32, #tpu.memory_space<vmem>>, %arg4: memref<10000x1xf32, #tpu.memory_space<vmem>>) attributes {dimension_semantics = [#tpu.dimension_semantics<arbitrary>], iteration_bounds = array<i64: 1>, scalar_prefetch = 0 : i64, scratch_operands = 0 : i64, tpu.core_type = #tpu.core_type<tc>, window_params = [{transform_indices = @transform_0, window_bounds = array<i64: 10000, 32>}, {pipeline_mode = #tpu.pipeline_mode<synchronous>, transform_indices = @transform_1, window_bounds = array<i64: 2, 10000>}, {transform_indices = @transform_2, window_bounds = array<i64: 10000, 32>}, {transform_indices = @transform_3, window_bounds = array<i64: 10000, 1>}]} {
    %get3A = arith.constant 0 : index
    %get3A_0 = arith.constant 0 : index
    %get3A_1 = vector.load %arg2[%get3A, %get3A_0] : memref<2x10000xf32, #tpu.memory_space<vmem>>, vector<1x10000xf32>
    %get3A_2 = vector.shape_cast %get3A_1 : vector<1x10000xf32> to vector<10000xf32>
    %get3A_3 = arith.constant 1 : index
    %get3A_4 = arith.constant 0 : index
    %get3A_5 = vector.load %arg2[%get3A_3, %get3A_4] : memref<2x10000xf32, #tpu.memory_space<vmem>>, vector<1x10000xf32>
    %get3A_6 = vector.shape_cast %get3A_5 : vector<1x10000xf32> to vector<10000xf32>
    %add3A = arith.addf %get3A_2, %get3A_6 : vector<10000xf32>
    %add3A_7 = arith.constant 1.000000e+00 : f32
    %add3A_8 = vector.broadcast %add3A_7 : f32 to vector<10000xf32>
    %add3A_9 = arith.addf %add3A, %add3A_8 : vector<10000xf32>
    %rsqrt3A = math.rsqrt %add3A_9 : vector<10000xf32>
    %reshape3A = vector.shape_cast %rsqrt3A : vector<10000xf32> to vector<10000x1xf32>
    %get3A_10 = arith.constant 0 : index
    %get3A_11 = arith.constant 0 : index
    %get3A_12 = vector.load %arg1[%get3A_10, %get3A_11] : memref<10000x32xf32, #tpu.memory_space<vmem>>, vector<10000x32xf32>
    %mul3A = vector.broadcast %reshape3A : vector<10000x1xf32> to vector<10000x32xf32>
    %mul3A_13 = arith.mulf %mul3A, %get3A_12 : vector<10000x32xf32>
    %swap3A = arith.constant 0 : index
    %swap3A_14 = arith.constant 0 : index
    %swap3A_15 = vector.load %arg3[%swap3A, %swap3A_14] : memref<10000x32xf32, #tpu.memory_space<vmem>>, vector<10000x32xf32>
    tpu.vector_store %arg3[%swap3A, %swap3A_14], %mul3A_13 {strides = array<i32>} : memref<10000x32xf32, #tpu.memory_space<vmem>>, vector<10000x32xf32>,
    %swap3A_16 = arith.constant 0 : index
    %swap3A_17 = arith.constant 0 : index
    %swap3A_18 = vector.load %arg4[%swap3A_16, %swap3A_17] : memref<10000x1xf32, #tpu.memory_space<vmem>>, vector<10000x1xf32>
    tpu.vector_store %arg4[%swap3A_16, %swap3A_17], %reshape3A {strides = array<i32>} : memref<10000x1xf32, #tpu.memory_space<vmem>>, vector<10000x1xf32>,
    return
  }
  func.func @transform_0(%arg0: i32) -> (i32, i32) {
    %c0_i32 = arith.constant 0 : i32
    %c0_i32_0 = arith.constant 0 : i32
    return %arg0, %c0_i32 : i32, i32
  }
  func.func @transform_1(%arg0: i32) -> (i32, i32) {
    %c0_i32 = arith.constant 0 : i32
    %c0_i32_0 = arith.constant 0 : i32
    %c0_i32_1 = arith.constant 0 : i32
    return %c0_i32, %c0_i32_0 : i32, i32
  }
  func.func @transform_2(%arg0: i32) -> (i32, i32) {
    %c0_i32 = arith.constant 0 : i32
    %c0_i32_0 = arith.constant 0 : i32
    return %arg0, %c0_i32 : i32, i32
  }
  func.func @transform_3(%arg0: i32) -> (i32, i32) {
    %c0_i32 = arith.constant 0 : i32
    %c0_i32_0 = arith.constant 0 : i32
    return %arg0, %c0_i32 : i32, i32
  }
}

module attributes {stable_mosaic.version = 14 : i64} {
  func.func @_tc_b(%arg0: i32, %arg1: memref<10000x32xf32, #tpu.memory_space<vmem>>, %arg2: memref<2x10000x32xf32, #tpu.memory_space<vmem>>, %arg3: memref<10000x1xf32, #tpu.memory_space<vmem>>, %arg4: memref<1x32xf32, #tpu.memory_space<vmem>>, %arg5: memref<32x16xf32, #tpu.memory_space<vmem>>, %arg6: memref<10000x16xf32, #tpu.memory_space<vmem>>) attributes {dimension_semantics = [#tpu.dimension_semantics<arbitrary>], iteration_bounds = array<i64: 1>, scalar_prefetch = 0 : i64, scratch_operands = 0 : i64, tpu.core_type = #tpu.core_type<tc>, window_params = [{transform_indices = @transform_0, window_bounds = array<i64: 10000, 32>}, {transform_indices = @transform_1, window_bounds = array<i64: 2, 10000, 32>}, {transform_indices = @transform_2, window_bounds = array<i64: 10000, 1>}, {pipeline_mode = #tpu.pipeline_mode<synchronous>, transform_indices = @transform_3, window_bounds = array<i64: 1, 32>}, {pipeline_mode = #tpu.pipeline_mode<synchronous>, transform_indices = @transform_4, window_bounds = array<i64: 32, 16>}, {transform_indices = @transform_5, window_bounds = array<i64: 10000, 16>}]} {
    %get3A = arith.constant 0 : index
    %get3A_0 = arith.constant 0 : index
    %get3A_1 = vector.load %arg3[%get3A, %get3A_0] : memref<10000x1xf32, #tpu.memory_space<vmem>>, vector<10000x1xf32>
    %get3A_2 = arith.constant 0 : index
    %get3A_3 = arith.constant 0 : index
    %get3A_4 = vector.load %arg1[%get3A_2, %get3A_3] : memref<10000x32xf32, #tpu.memory_space<vmem>>, vector<10000x32xf32>
    %get3A_5 = arith.constant 0 : index
    %get3A_6 = arith.constant 0 : index
    %get3A_7 = arith.constant 0 : index
    %get3A_8 = vector.load %arg2[%get3A_5, %get3A_6, %get3A_7] : memref<2x10000x32xf32, #tpu.memory_space<vmem>>, vector<1x10000x32xf32>
    %get3A_9 = vector.shape_cast %get3A_8 : vector<1x10000x32xf32> to vector<10000x32xf32>
    %add3A = arith.addf %get3A_4, %get3A_9 : vector<10000x32xf32>
    %get3A_10 = arith.constant 1 : index
    %get3A_11 = arith.constant 0 : index
    %get3A_12 = arith.constant 0 : index
    %get3A_13 = vector.load %arg2[%get3A_10, %get3A_11, %get3A_12] : memref<2x10000x32xf32, #tpu.memory_space<vmem>>, vector<1x10000x32xf32>
    %get3A_14 = vector.shape_cast %get3A_13 : vector<1x10000x32xf32> to vector<10000x32xf32>
    %add3A_15 = arith.addf %add3A, %get3A_14 : vector<10000x32xf32>
    %mul3A = vector.broadcast %get3A_1 : vector<10000x1xf32> to vector<10000x32xf32>
    %mul3A_16 = arith.mulf %mul3A, %add3A_15 : vector<10000x32xf32>
    %get3A_17 = arith.constant 0 : index
    %get3A_18 = arith.constant 0 : index
    %get3A_19 = vector.load %arg4[%get3A_17, %get3A_18] : memref<1x32xf32, #tpu.memory_space<vmem>>, vector<1x32xf32>
    %add3A_20 = vector.broadcast %get3A_19 : vector<1x32xf32> to vector<10000x32xf32>
    %add3A_21 = arith.addf %mul3A_16, %add3A_20 : vector<10000x32xf32>
    %max3A = arith.constant 0.000000e+00 : f32
    %max3A_22 = vector.broadcast %max3A : f32 to vector<10000x32xf32>
    %max3A_23 = arith.maximumf %add3A_21, %max3A_22 : vector<10000x32xf32>
    %get3A_24 = arith.constant 0 : index
    %get3A_25 = arith.constant 0 : index
    %get3A_26 = vector.load %arg5[%get3A_24, %get3A_25] : memref<32x16xf32, #tpu.memory_space<vmem>>, vector<32x16xf32>
    %dot_general3A = arith.constant dense<0.000000e+00> : vector<10000x16xf32>
    %dot_general3A_27 = tpu.matmul %max3A_23, %get3A_26, %dot_general3A {dimension_numbers = #tpu.dot_dimension_numbers<[1], [0], [0], [1], [0, 0, 1, 1], [], []>, transpose_lhs_hint = false} : vector<10000x32xf32>, vector<32x16xf32>, vector<10000x16xf32> -> vector<10000x16xf32>
    %mul3A_28 = vector.broadcast %get3A_1 : vector<10000x1xf32> to vector<10000x16xf32>
    %mul3A_29 = arith.mulf %mul3A_28, %dot_general3A_27 : vector<10000x16xf32>
    %swap3A = arith.constant 0 : index
    %swap3A_30 = arith.constant 0 : index
    %swap3A_31 = vector.load %arg6[%swap3A, %swap3A_30] : memref<10000x16xf32, #tpu.memory_space<vmem>>, vector<10000x16xf32>
    tpu.vector_store %arg6[%swap3A, %swap3A_30], %mul3A_29 {strides = array<i32>} : memref<10000x16xf32, #tpu.memory_space<vmem>>, vector<10000x16xf32>,
    return
  }
  func.func @transform_0(%arg0: i32) -> (i32, i32) {
    %c0_i32 = arith.constant 0 : i32
    %c0_i32_0 = arith.constant 0 : i32
    return %arg0, %c0_i32 : i32, i32
  }
  func.func @transform_1(%arg0: i32) -> (i32, i32, i32) {
    %c0_i32 = arith.constant 0 : i32
    %c0_i32_0 = arith.constant 0 : i32
    %c0_i32_1 = arith.constant 0 : i32
    return %c0_i32, %arg0, %c0_i32_0 : i32, i32, i32
  }
  func.func @transform_2(%arg0: i32) -> (i32, i32) {
    %c0_i32 = arith.constant 0 : i32
    %c0_i32_0 = arith.constant 0 : i32
    return %arg0, %c0_i32 : i32, i32
  }
  func.func @transform_3(%arg0: i32) -> (i32, i32) {
    %c0_i32 = arith.constant 0 : i32
    %c0_i32_0 = arith.constant 0 : i32
    %c0_i32_1 = arith.constant 0 : i32
    return %c0_i32, %c0_i32_0 : i32, i32
  }
  func.func @transform_4(%arg0: i32) -> (i32, i32) {
    %c0_i32 = arith.constant 0 : i32
    %c0_i32_0 = arith.constant 0 : i32
    %c0_i32_1 = arith.constant 0 : i32
    return %c0_i32, %c0_i32_0 : i32, i32
  }
  func.func @transform_5(%arg0: i32) -> (i32, i32) {
    %c0_i32 = arith.constant 0 : i32
    %c0_i32_0 = arith.constant 0 : i32
    return %arg0, %c0_i32 : i32, i32
  }
}

module attributes {stable_mosaic.version = 14 : i64} {
  func.func @_tc_c(%arg0: i32, %arg1: memref<10000x16xf32, #tpu.memory_space<vmem>>, %arg2: memref<2x10000x16xf32, #tpu.memory_space<vmem>>, %arg3: memref<10000x1xf32, #tpu.memory_space<vmem>>, %arg4: memref<1x16xf32, #tpu.memory_space<vmem>>, %arg5: memref<10000x16xf32, #tpu.memory_space<vmem>>) attributes {dimension_semantics = [#tpu.dimension_semantics<arbitrary>], iteration_bounds = array<i64: 1>, scalar_prefetch = 0 : i64, scratch_operands = 0 : i64, tpu.core_type = #tpu.core_type<tc>, window_params = [{transform_indices = @transform_0, window_bounds = array<i64: 10000, 16>}, {transform_indices = @transform_1, window_bounds = array<i64: 2, 10000, 16>}, {transform_indices = @transform_2, window_bounds = array<i64: 10000, 1>}, {pipeline_mode = #tpu.pipeline_mode<synchronous>, transform_indices = @transform_3, window_bounds = array<i64: 1, 16>}, {transform_indices = @transform_4, window_bounds = array<i64: 10000, 16>}]} {
    %get3A = arith.constant 0 : index
    %get3A_0 = arith.constant 0 : index
    %get3A_1 = vector.load %arg3[%get3A, %get3A_0] : memref<10000x1xf32, #tpu.memory_space<vmem>>, vector<10000x1xf32>
    %get3A_2 = arith.constant 0 : index
    %get3A_3 = arith.constant 0 : index
    %get3A_4 = vector.load %arg1[%get3A_2, %get3A_3] : memref<10000x16xf32, #tpu.memory_space<vmem>>, vector<10000x16xf32>
    %get3A_5 = arith.constant 0 : index
    %get3A_6 = arith.constant 0 : index
    %get3A_7 = arith.constant 0 : index
    %get3A_8 = vector.load %arg2[%get3A_5, %get3A_6, %get3A_7] : memref<2x10000x16xf32, #tpu.memory_space<vmem>>, vector<1x10000x16xf32>
    %get3A_9 = vector.shape_cast %get3A_8 : vector<1x10000x16xf32> to vector<10000x16xf32>
    %add3A = arith.addf %get3A_4, %get3A_9 : vector<10000x16xf32>
    %get3A_10 = arith.constant 1 : index
    %get3A_11 = arith.constant 0 : index
    %get3A_12 = arith.constant 0 : index
    %get3A_13 = vector.load %arg2[%get3A_10, %get3A_11, %get3A_12] : memref<2x10000x16xf32, #tpu.memory_space<vmem>>, vector<1x10000x16xf32>
    %get3A_14 = vector.shape_cast %get3A_13 : vector<1x10000x16xf32> to vector<10000x16xf32>
    %add3A_15 = arith.addf %add3A, %get3A_14 : vector<10000x16xf32>
    %mul3A = vector.broadcast %get3A_1 : vector<10000x1xf32> to vector<10000x16xf32>
    %mul3A_16 = arith.mulf %mul3A, %add3A_15 : vector<10000x16xf32>
    %get3A_17 = arith.constant 0 : index
    %get3A_18 = arith.constant 0 : index
    %get3A_19 = vector.load %arg4[%get3A_17, %get3A_18] : memref<1x16xf32, #tpu.memory_space<vmem>>, vector<1x16xf32>
    %add3A_20 = vector.broadcast %get3A_19 : vector<1x16xf32> to vector<10000x16xf32>
    %add3A_21 = arith.addf %mul3A_16, %add3A_20 : vector<10000x16xf32>
    %swap3A = arith.constant 0 : index
    %swap3A_22 = arith.constant 0 : index
    %swap3A_23 = vector.load %arg5[%swap3A, %swap3A_22] : memref<10000x16xf32, #tpu.memory_space<vmem>>, vector<10000x16xf32>
    tpu.vector_store %arg5[%swap3A, %swap3A_22], %add3A_21 {strides = array<i32>} : memref<10000x16xf32, #tpu.memory_space<vmem>>, vector<10000x16xf32>,
    return
  }
  func.func @transform_0(%arg0: i32) -> (i32, i32) {
    %c0_i32 = arith.constant 0 : i32
    %c0_i32_0 = arith.constant 0 : i32
    return %arg0, %c0_i32 : i32, i32
  }
  func.func @transform_1(%arg0: i32) -> (i32, i32, i32) {
    %c0_i32 = arith.constant 0 : i32
    %c0_i32_0 = arith.constant 0 : i32
    %c0_i32_1 = arith.constant 0 : i32
    return %c0_i32, %arg0, %c0_i32_0 : i32, i32, i32
  }
  func.func @transform_2(%arg0: i32) -> (i32, i32) {
    %c0_i32 = arith.constant 0 : i32
    %c0_i32_0 = arith.constant 0 : i32
    return %arg0, %c0_i32 : i32, i32
  }
  func.func @transform_3(%arg0: i32) -> (i32, i32) {
    %c0_i32 = arith.constant 0 : i32
    %c0_i32_0 = arith.constant 0 : i32
    %c0_i32_1 = arith.constant 0 : i32
    return %c0_i32, %c0_i32_0 : i32, i32
  }
  func.func @transform_4(%arg0: i32) -> (i32, i32) {
    %c0_i32 = arith.constant 0 : i32
    %c0_i32_0 = arith.constant 0 : i32
    return %arg0, %c0_i32 : i32, i32
  }
}

</mosaic_0001>

<sc_bundles>
// kernel: kernel.12.cloned.1.call-start
scs
__scs_entry_jumppad:
0x0: {  	(pc) =	sbr.rel $0x88, $3  }
0x1: {  	(tag) =	ssettag $0x0;
	lr =	simm.s32 $0x1  }
0x2: {  	[smem:$0x3F9B] =	sst lr;
	_ =	strace $0xD0000000  }
0x3: {  	_ = 	snop  }
0x4: {  	_ = 	snop  }
0x5: {  	_ = 	snop  }
0x6: {  	_ = 	snop  }
0x7: {  	_ = 	snop  }
__scs_overlays_trampoline_lowered:
0x8: {  	[smem:$0x3FAA] =	sst s0  }
0x9: {  	[smem:$0x3FAB] =	sst s1  }
0xa: {  	[smem:$0x3FAC] =	sst s2  }
0xb: {  	[smem:$0x3FAD] =	sst s3  }
0xc: {  	[smem:$0x3FAE] =	sst s4  }
0xd: {  	[smem:$0x3FAF] =	sst s5  }
0xe: {  	[smem:$0x3FB0] =	sst s6  }
0xf: {  	[smem:$0x3FB1] =	sst s7  }
0x10: {  	[smem:$0x3FB2] =	sst s8  }
0x11: {  	[smem:$0x3FB3] =	sst s9;
	s0 =	simm.s32 @!p0 $0x0  }
0x12: {  	s1 =	sld [smem:$0x3F99];
	s0 =	simm.s32 @p0 $0x1  }
0x13: {  	[smem:$0x3FB4] =	sst s0;
	s0 =	simm.s32 @!p1 $0x0  }
0x14: {  	s2 =	sld [smem:$0x3F98];
	s0 =	simm.s32 @p1 $0x1  }
0x15: {  	[smem:$0x3FB5] =	sst s0;
	s0 =	simm.s32 @!p2 $0x0  }
0x16: {  	s3 =	sld [smem:$0x3FDB];
	s0 =	simm.s32 @p2 $0x1  }
0x17: {  	s4 =	simm.s32 $0x1BF5;
	[smem:$0x3FB7] =	sst s0  }
0x18: {  	s0 =	sld [smem:$0x3F9A];
	_ =	swait.ge [sflag:s4], $0x0  }
0x19: {  	s7 =	sld [smem:$0x3F9B]  }
0x1a: {  	s8 =	sadd.s32 $0xFFFFE003, lr  }
0x1b: {  	s9 =	sadd.s32 $0xFFFFFEF7, lr;
	s5 =	simm.s32 $0xFFFFFFFF;
	p2 =	slt.u32 s8, $0xFFFFF086  }
0x1c: {  	p1 =	slt.u32 s9, $0xF7A;
	s5 =	simm.s32 @!p2 $0x0  }
0x1d: {  	s5 =	simm.s32 @p1 $0x1;
	p0 =	seq.s32 s7, s2  }
0x1e: {  	s7 =	smul.u32 @!p0 $0xF7A, s2;
	p2 =	seq.s32 @!p0 s5, $0x0  }
0x1f: {  	s9 =	smul.u32 $0xF7A, s1;
	s8 =	simm.s32 @!p0 $0x1BF5;
	p2 =	por !p2, p0  }
0x20: {  	[sflag:s8] =	ssyncset.s32 @!p0 $0xFFFFF086;
	s6 =	sadd.s32 @!p0 s3, s7;
	s7 =	simm.s32 @!p0 $0x108  }
0x21: {  	s3 =	sadd.s32 s3, s9;
	s6 =	sadd.s32 @!p0 $0x88, s6;
	s7 =	simm.s32 @p2 $0x1082  }
0x22: {  	[simem:s7], [sflag:s8] =	dma.local @!p0 [hbm:s6], $0xF7A  }
0x23: {  	s9 =	sor.u32 $0xD0000000, s2;
	s6 =	simm.s32 $0x108;
	_ =	swait.ge @!p0 [sflag:s8], $0x0  }
0x24: {  	s3 =	sadd.s32 $0x88, s3;
	s6 =	simm.s32 @!p1 $0x1082;
	[sflag:s4] =	ssyncset.s32 $0xFFFFF086  }
0x25: {  	[simem:s6], [sflag:s4] =	dma.local [hbm:s3], $0xF7A  }
0x26: {  	[smem:$0x3F9B] =	sst s1;
	(tag) =	ssettag s2;
	_ =	strace s9  }
0x27: {  	s1 =	sld [smem:$0x3FAB]  }
0x28: {  	s2 =	sld [smem:$0x3FAC]  }
0x29: {  	s4 =	sld [smem:$0x3FAE]  }
0x2a: {  	p0 =	seq.s32 s5, $0x0;
	s5 =	sld [smem:$0x3FAF]  }
0x2b: {  	s6 =	sld [smem:$0x3FB0]  }
0x2c: {  	s7 =	sld [smem:$0x3FB1]  }
0x2d: {  	s3 =	simm.s32 $0x108;
	s8 =	sld [smem:$0x3FB2]  }
0x2e: {  	s3 =	simm.s32 @!p0 $0x1082;
	s9 =	sld [smem:$0x3FB3]  }
0x2f: {  	lr =	sadd.s32 s0, s3;
	s0 =	sld [smem:$0x3FAA]  }
0x30: {  	s3 =	sld [smem:$0x3FAD]  }
0x31: {  	[smem:$0x3FB6] =	sst s10  }
0x32: {  	s10 =	sld [smem:$0x3FB4];
	_ =	sdelay $0x3  }
0x33: {  	p0 =	seq.s32 s10, $0x1;
	s10 =	sld [smem:$0x3FB6];
	_ =	sdelay $0x3  }
0x34: {  	[smem:$0x3FB6] =	sst s10  }
0x35: {  	s10 =	sld [smem:$0x3FB5];
	_ =	sdelay $0x3  }
0x36: {  	p1 =	seq.s32 s10, $0x1;
	s10 =	sld [smem:$0x3FB6];
	_ =	sdelay $0x3  }
0x37: {  	[smem:$0x3FB6] =	sst s10  }
0x38: {  	s10 =	sld [smem:$0x3FB7]  }
0x39: {  	_ = 	snop;
	(pc) =	sbr.ind lr, $3  }
0x3a: {  	_ = 	snop  }
0x3b: {  	_ = 	snop  }
0x3c: {  	p2 =	seq.s32 s10, $0x1;
	s10 =	sld [smem:$0x3FB6]  }
0x3d: {  	_ =	shalt  }
0x3e: {  	_ =	shalt  }
0x3f: {  	_ =	shalt  }
0x40: {  	_ =	shalt  }
0x41: {  	_ =	shalt  }
0x42: {  	_ =	shalt  }
0x43: {  	_ =	shalt  }
0x44: {  	_ =	shalt  }
0x45: {  	_ =	shalt  }
0x46: {  	_ =	shalt  }
0x47: {  	_ =	shalt  }
0x48: {  	_ =	shalt  }
0x49: {  	_ =	shalt  }
0x4a: {  	_ =	shalt  }
0x4b: {  	_ =	shalt  }
0x4c: {  	_ =	shalt  }
0x4d: {  	_ =	shalt  }
0x4e: {  	_ =	shalt  }
0x4f: {  	_ =	shalt  }
0x50: {  	_ =	shalt  }
0x51: {  	_ =	shalt  }
0x52: {  	_ =	shalt  }
0x53: {  	_ =	shalt  }
0x54: {  	_ =	shalt  }
0x55: {  	_ =	shalt  }
0x56: {  	_ =	shalt  }
0x57: {  	_ =	shalt  }
0x58: {  	_ =	shalt  }
0x59: {  	_ =	shalt  }
0x5a: {  	_ =	shalt  }
0x5b: {  	_ =	shalt  }
0x5c: {  	_ =	shalt  }
0x5d: {  	_ =	shalt  }
0x5e: {  	_ =	shalt  }
0x5f: {  	_ =	shalt  }
0x60: {  	_ =	shalt  }
0x61: {  	_ =	shalt  }
0x62: {  	_ =	shalt  }
0x63: {  	_ =	shalt  }
0x64: {  	_ =	shalt  }
0x65: {  	_ =	shalt  }
0x66: {  	_ =	shalt  }
0x67: {  	_ =	shalt  }
0x68: {  	_ =	shalt  }
0x69: {  	_ =	shalt  }
0x6a: {  	_ =	shalt  }
0x6b: {  	_ =	shalt  }
0x6c: {  	_ =	shalt  }
0x6d: {  	_ =	shalt  }
0x6e: {  	_ =	shalt  }
0x6f: {  	_ =	shalt  }
0x70: {  	_ =	shalt  }
0x71: {  	_ =	shalt  }
0x72: {  	_ =	shalt  }
0x73: {  	_ =	shalt  }
0x74: {  	_ =	shalt  }
0x75: {  	_ =	shalt  }
0x76: {  	_ =	shalt  }
0x77: {  	_ =	shalt  }
0x78: {  	_ =	shalt  }
0x79: {  	_ =	shalt  }
0x7a: {  	_ =	shalt  }
0x7b: {  	_ =	shalt  }
0x7c: {  	_ =	shalt  }
0x7d: {  	_ =	shalt  }
0x7e: {  	_ =	shalt  }
0x7f: {  	_ =	shalt  }
0x80: {  	_ =	shalt  }
0x81: {  	_ =	shalt  }
0x82: {  	_ =	shalt  }
0x83: {  	_ =	shalt  }
0x84: {  	_ =	shalt  }
0x85: {  	_ =	shalt  }
0x86: {  	_ =	shalt  }
0x87: {  	_ =	shalt  }
.Lfunc_end0:
.L_simem_size_0:
called_computation.1_lowered:
.L_overlay_start_0:
0x88: {  	s2 =	sld [smem:$0x3FD9]  }
0x89: {  	s3 =	sld [smem:$0x3FFE];
	_ =	sdelay $0x1  }
0x8a: {  	s1 =	srdreg.scid  }
0x8b: {  	s0 =	sand.u32 $0x1, s1  }
0x8c: {  	s17 =	sshll.u32 s0, $0xA;
	s2 =	sadd.s32 s3, s2  }
0x8d: {  	s2 =	sadd.s32 s2, s17  }
0x8e: {  	[smem:$0x3FC2] =	sst s2  }
0x8f: {  	_ = 	snop  }
0x90: {  	s2 =	sld [smem:$0x3FD0];
	(tm) =	ssettm $0x1  }
0x91: {  	s18 =	sld [smem:$0x3FFB];
	_ =	sdelay $0x3  }
0x92: {  	_ =	strace s18  }
0x93: {  	s3 =	sld [smem:$0x3FFC];
	_ =	sdelay $0x3  }
0x94: {  	_ =	strace s3  }
0x95: {  	s3 =	sld [smem:$0x3FFD];
	_ =	sdelay $0x3  }
0x96: {  	_ =	strace s3  }
0x97: {  	_ =	strace $0x8FFFFFFF  }
0x98: {  	s19 =	sld [smem:$0x3FDB];
	_ =	sdelay $0x1  }
0x99: {  	s4 =	simm.s32 $_scs_section_size  }
0x9a: {  	s5 =	simm.s32 $_size__tile_overlayer_lowered;
	s6 =	simm.s32 $_tile_overlayer_lowered  }
0x9b: {  	s22 =	simm.s32 $0x1BFF;
	s21 =	sshll.u32 s6, $0x1;
	s3 =	sadd.s32 s4, s19  }
0x9c: {  	s7 =	simm.s32 $0x0;
	s20 =	sshll.u32 s5, $0x1;
	s5 =	sadd.s32 s21, s3  }
0x9d: {  	[timem:s7], [sflag:s22] =	dma.local [hbm:s5], s20  }
0x9e: {  	_ =	swait.ge [sflag:s22], s20  }
0x9f: {  	s4 =	ssub.s32 $0x0, s20;
	[sflag:s22] =	ssyncset.done $0x0  }
0xa0: {  	[sflag:s22] =	ssyncadd.s32 s4;
	_ =	sdelay $0x1  }
0xa1: {  	s23 =	simm.s32 $0x1B8B  }
0xa2: {  	_ =	swait.ge [sflag:s23], $0x1  }
0xa3: {  	[sflag:s23] =	ssyncset.done $0x0  }
0xa4: {  	s25 =	simm.s32 $0x1B8E;
	s24 =	sld [smem:$0x3FFE];
	[sflag:s23] =	ssyncadd.s32 $0xFFFFFFFF  }
0xa5: {  	s26 =	simm.s32 $execute0_lowered;
	[smem:$0x3FD2] =	sst s25  }
0xa6: {  	s5 =	sshll.u32 s26, $0x1;
	_ =	strace $0x80000049;
	[dreg:$0x1] =	wrdreg $0xFFFFFFFF  }
0xa7: {  	s28 =	simm.s32 $_size_execute0_lowered;
	s3 =	sadd.s32 s3, s5;
	[dreg:$0x0] =	wrdreg $0x0  }
0xa8: {  	s5 =	sshll.u32 s28, $0x1;
	[dreg:$0x2] =	wrdreg s3  }
0xa9: {  	[dreg:$0x3] =	wrdreg s5  }
0xaa: {  	[dreg:$0x4] =	wrdreg $0xC0  }
0xab: {  	_ =	task [dreg:s7], $0x5FFFF  }
0xac: {  	[dreg:$0x1] =	wrdreg $0xFFFFFFFF  }
0xad: {  	[dreg:$0x0] =	wrdreg $0x60  }
0xae: {  	[dreg:$0x2] =	wrdreg s24  }
0xaf: {  	[dreg:$0x3] =	wrdreg s2  }
0xb0: {  	[dreg:$0x4] =	wrdreg $0x0  }
0xb1: {  	[dreg:$0x5] =	wrdreg $0x50000  }
0xb2: {  	[dreg:$0x6] =	wrdreg $0x9  }
0xb3: {  	_ =	task.clear_ibuf [dreg:s7], $0x7FFFF;
	_ =	strace $0x90000049  }
0xb4: {  	s29 =	simm.s32 $0x9;
	_ =	strace $0x8000004B  }
0xb5: {  	_ =	swait.ge [sflag:s29], $0x1  }
0xb6: {  	[sflag:s29] =	ssyncadd.s32 $0xFFFFFFFF  }
0xb7: {  	_ =	strace $0x9000004B  }
0xb8: {  	_ =	sfence  }
0xb9: {  	s30 =	sld [smem:$0x0];
	_ =	sdelay $0x2  }
0xba: {  	s31 =	sshll.u32 s1, $0xD;
	s1 =	sshrl.u32 s1, $0x2  }
0xbb: {  	s3 =	sand.u32 $0x4000, s31;
	s1 =	sadd.s32 s1, s30  }
0xbc: {  	s0 =	sor.u32 s3, s0;
	s1 =	sshll.u32 s1, $0x11  }
0xbd: {  	s0 =	sor.u32 s1, s0  }
0xbe: {  	s0 =	sadd.s32 $0x8F2B, s0  }
0xbf: {  	[sflag:s0] =	ssyncadd.remote.s32 $0x1  }
0xc0: {  	_ =	sfence.sel $0xFFFF  }
0xc1: {  	[dreg:$0x0] =	wrdreg $0xFFFFFFFF;
	(pc) =	sbr.abs _section_cstart, $3  }
0xc2: {  	[dreg:$0x1] =	wrdreg $0xFFFFFFFF  }
0xc3: {  	_ =	task.clear_ibuf [dreg:s7], $0x2FFFF;
	_ =	strace $0x9FFFFFFF  }
0xc4: {  	(tm) =	ssettm $0x7FFFFFFF  }
0xc5: {  	_ =	shalt  }
tec
execute0_lowered:
.L_overlay_start_1:
0x0: {  	(tag) =	ssettag $0x1  }
0x1: {  	s0 =	srdreg.scid;
	s1 =	rddreg [dreg:$0x0]  }
0x2: {  	s15 =	stileid.u32;
	s3 =	rddreg [dreg:$0x2]  }
0x3: {  	s4 =	rddreg [dreg:$0x3];
	s5 =	simm.s32 $0x0;
	s17 =	simm.s32 $0x5  }
0x4: {  	s18 =	simm.s32 $0xA000;
	s20 =	simm.s32 $0x7D;
	s21 =	simm.s32 $0xF000  }
0x5: {  	s23 =	simm.s32 $0xFFA0;
	s28 =	simm.s32 $0x11EE0;
	s29 =	simm.s32 $0x1  }
0x6: {  	s30 =	simm.s32 $0x2;
	s31 =	simm.s32 $0x3;
	s0 =	sand.u32 $0x1, s0  }
0x7: {  	s8 =	smul.u32 $0x5000, s15;
	[smem:$0x7FF] =	sst s5;
	s12 =	sadd.s32 $0x4B000, s3  }
0x8: {  	p0 =	seq.s32 s15, $0xF;
	s26 =	sshll.u32 s15, $0x6;
	s2 =	sshll.u32 s0, $0x4  }
0x9: {  	s6 =	smul.u32 $0x50000, s0;
	_ =	strace $0x8000004A;
	s0 =	ssub.s32 $0x2, s0  }
0xa: {  	s12 =	sshrl.u32 @p0 s12, $0x3;
	s2 =	sor.u32 s15, s2;
	s7 =	sshrl.u32 s8, $0x3  }
0xb: {  	s9 =	sshrl.u32 s0, $0x1;
	s14 =	sadd.s32 s8, s3;
	s25 =	sadd.s32 s8, s4  }
0xc: {  	s2 =	smul.u32 $0x2800, s2;
	s6 =	sadd.s32 s8, s6;
	s7 =	sadd.s32 s7, s1  }
0xd: {  	s0 =	ssub.s32 s0, s9;
	s14 =	sshrl.u32 @!p0 s14, $0x3;
	s16 =	sshrl.u32 s25, $0x3  }
0xe: {  	s25 =	simm.s32 $0x10F40;
	s6 =	sshrl.u32 s6, $0x3;
	s11 =	smax.u32 s0, $0x1  }
0xf: {  	s0 =	sshll.u32 @!p0 s15, $0x6;
	s15 =	sor.u32 $0x1C05, s26;
	s26 =	simm.s32 $0xEF80  }
0x10: {  	s2 =	sshrl.u32 s2, $0x3;
	s10 =	sadd.s32 s6, s1;
	s6 =	sadd.s32 $0x15E00, s7  }
0x11: {  	s7 =	sadd.s32 $0x1F400, s1;
	s13 =	sor.u32 @!p0 $0x1C05, s0;
	s0 =	simm.s32 $0x0  }
0x12: {  	s2 =	sadd.s32 s2, s1;
	s10 =	sadd.s32 $0x1FC00, s10;
	s1 =	simm.s32 $0xC780  }
0x13: {  	s8 =	sadd.s32 $0x1E00, s2;
	s9 =	sadd.s32 $0xBE00, s2;
	s2 =	simm.s32 $0x4  }
.LBB2_1:
0x14: {  	s19 =	simm.s32 @p0 $0x1FC5  }
0x15: {  	[spmem:s12], [sflag:s19] =	dma.local @p0 [hbm:s7], $0x640  }
0x16: {  	s19 =	simm.s32 @p0 $0x5  }
0x17: {  	_ =	swait.ge @p0 [sflag:s19], $0x640  }
0x18: {  	[sflag:s19] =	ssyncset.done @p0 $0x0  }
0x19: {  	[sflag:s19] =	ssyncadd.s32 @p0 $0xFFFFF9C0;
	s19 =	simm.s32 @!p0 $0x5  }
0x1a: {  	[spmem:s14], [sflag:s13] =	dma.local @!p0 [hbm:s6], $0xA00  }
0x1b: {  	_ =	swait.ge @!p0 [sflag:s19], $0xA00  }
0x1c: {  	[sflag:s19] =	ssyncset.done @!p0 $0x0  }
0x1d: {  	[sflag:s19] =	ssyncadd.s32 @!p0 $0xFFFFF600  }
0x1e: {  	s19 =	rddreg [dreg:$0x1]  }
0x1f: {  	[spmem:s16], [sflag:s15] =	dma.local [hbm:s19], $0xA00  }
0x20: {  	_ =	swait.ge [sflag:s17], $0xA00  }
0x21: {  	[sflag:s17] =	ssyncset.done $0x0  }
0x22: {  	[sflag:s17] =	ssyncadd.s32 $0xFFFFF600  }
0x23: {  	[tilespmem:s18], [sflag:$0x5] =	stream.linear.gather [hbm4b:s8+s5], $0x2800, $0x38;
	[tilespmem:$0x12E80] =	vst v63  }
0x24: {  	_ =	swait.ge [sflag:s17], $0x2800  }
0x25: {  	[sflag:s17] =	ssyncset.done $0x0  }
0x26: {  	s24 =	simm.s32 $0xC800;
	[sflag:s17] =	ssyncadd.s32 $0xFFFFD800  }
0x27: {  	[tilespmem:s24], [sflag:$0x5] =	stream.linear.gather [hbm4b:s9+s5], $0x2800, $0x38;
	[tilespmem:$0x12E80] =	vst v63  }
0x28: {  	_ =	swait.ge [sflag:s17], $0x2800  }
0x29: {  	[sflag:s17] =	ssyncset.done $0x0  }
0x2a: {  	[sflag:s17] =	ssyncadd.s32 $0xFFFFD800  }
0x2b: {  	[bflag:$0x0] =	sbarrier.arrive $0xFFFF  }
0x2c: {  	[tilespmem:s21], [sflag:$0x1] =	stream.indirect.gather [spmem:s3], $0x20, s18, s20, $0xb8;
	[tilespmem:$0x12E80] =	vst v63  }
0x2d: {  	s22 =	simm.s32 $0xA080  }
0x2e: {  	[tilespmem:s23], [sflag:$0x2] =	stream.indirect.gather [spmem:s3], $0x20, s22, s20, $0xb8;
	[tilespmem:$0x12E80] =	vst v63  }
0x2f: {  	s24 =	simm.s32 $0xA100  }
0x30: {  	[tilespmem:s25], [sflag:$0x3] =	stream.indirect.gather [spmem:s3], $0x20, s24, s20, $0xb8;
	[tilespmem:$0x12E80] =	vst v63  }
0x31: {  	s22 =	simm.s32 $0xA180  }
0x32: {  	[tilespmem:s28], [sflag:$0x4] =	stream.indirect.gather [spmem:s3], $0x20, s22, s20, $0xb8;
	[tilespmem:$0x12E80] =	vst v63  }
0x33: {  	_ =	swait.ge [sflag:s29], $0xFA0  }
0x34: {  	[sflag:s29] =	ssyncset.done $0x0  }
0x35: {  	s24 =	simm.s32 $0xC800;
	[sflag:s29] =	ssyncadd.s32 $0xFFFFF060  }
0x36: {  	[spmem:s4] =	stream.indirect.scatter.add.f32 [tilespmem:s21], [sflag:$0x5], $0x20, s24, s20, $0xb8;
	[tilespmem:$0x12E80] =	vst v63  }
0x37: {  	_ =	swait.ge [sflag:s17], $0xFA0  }
0x38: {  	[sflag:s17] =	ssyncset.done $0x0  }
0x39: {  	s22 =	simm.s32 $0xA200;
	[sflag:s17] =	ssyncadd.s32 $0xFFFFF060  }
0x3a: {  	[tilespmem:s21], [sflag:$0x1] =	stream.indirect.gather [spmem:s3], $0x20, s22, s20, $0xb8;
	[tilespmem:$0x12E80] =	vst v63  }
0x3b: {  	_ =	swait.ge [sflag:s30], $0xFA0  }
0x3c: {  	[sflag:s30] =	ssyncset.done $0x0  }
0x3d: {  	s24 =	simm.s32 $0xC880;
	[sflag:s30] =	ssyncadd.s32 $0xFFFFF060  }
0x3e: {  	[spmem:s4] =	stream.indirect.scatter.add.f32 [tilespmem:s23], [sflag:$0x5], $0x20, s24, s20, $0xb8;
	[tilespmem:$0x12E80] =	vst v63  }
0x3f: {  	_ =	swait.ge [sflag:s17], $0xFA0  }
0x40: {  	[sflag:s17] =	ssyncset.done $0x0  }
0x41: {  	s22 =	simm.s32 $0xA280;
	[sflag:s17] =	ssyncadd.s32 $0xFFFFF060  }
0x42: {  	[tilespmem:s23], [sflag:$0x2] =	stream.indirect.gather [spmem:s3], $0x20, s22, s20, $0xb8;
	[tilespmem:$0x12E80] =	vst v63  }
0x43: {  	_ =	swait.ge [sflag:s31], $0xFA0  }
0x44: {  	[sflag:s31] =	ssyncset.done $0x0  }
0x45: {  	s24 =	simm.s32 $0xC900;
	[sflag:s31] =	ssyncadd.s32 $0xFFFFF060  }
0x46: {  	[spmem:s4] =	stream.indirect.scatter.add.f32 [tilespmem:s25], [sflag:$0x5], $0x20, s24, s20, $0xb8;
	[tilespmem:$0x12E80] =	vst v63  }
0x47: {  	_ =	swait.ge [sflag:s17], $0xFA0  }
0x48: {  	[sflag:s17] =	ssyncset.done $0x0  }
0x49: {  	s22 =	simm.s32 $0xA300;
	[sflag:s17] =	ssyncadd.s32 $0xFFFFF060  }
0x4a: {  	[tilespmem:s25], [sflag:$0x3] =	stream.indirect.gather [spmem:s3], $0x20, s22, s20, $0xb8;
	[tilespmem:$0x12E80] =	vst v63  }
0x4b: {  	_ =	swait.ge [sflag:s2], $0xFA0  }
0x4c: {  	[sflag:s2] =	ssyncset.done $0x0  }
0x4d: {  	s24 =	simm.s32 $0xC980;
	[sflag:s2] =	ssyncadd.s32 $0xFFFFF060  }
0x4e: {  	[spmem:s4] =	stream.indirect.scatter.add.f32 [tilespmem:s28], [sflag:$0x5], $0x20, s24, s20, $0xb8;
	[tilespmem:$0x12E80] =	vst v63  }
0x4f: {  	_ =	swait.ge [sflag:s17], $0xFA0  }
0x50: {  	[sflag:s17] =	ssyncset.done $0x0  }
0x51: {  	s19 =	simm.s32 $0x800;
	s22 =	simm.s32 $0xA380;
	[sflag:s17] =	ssyncadd.s32 $0xFFFFF060  }
.LBB2_2:
0x52: {  	[tilespmem:s28], [sflag:$0x4] =	stream.indirect.gather [spmem:s3], $0x20, s22, s20, $0xb8;
	[tilespmem:$0x12E80] =	vst v63  }
0x53: {  	s22 =	smov.u32 s19  }
0x54: {  	p1 =	sne.s32 s19, $0x8800;
	s19 =	sadd.s32 $0x800, s19;
	_ =	swait.ge [sflag:s29], $0xFA0  }
0x55: {  	s22 =	sshra.s32 s22, $0x2;
	[sflag:s29] =	ssyncset.done $0x0  }
0x56: {  	s24 =	sadd.s32 $0xC800, s22;
	[sflag:s29] =	ssyncadd.s32 $0xFFFFF060  }
0x57: {  	[spmem:s4] =	stream.indirect.scatter.add.f32 [tilespmem:s21], [sflag:$0x5], $0x20, s24, s20, $0xb8;
	[tilespmem:$0x12E80] =	vst v63  }
0x58: {  	_ =	swait.ge [sflag:s17], $0xFA0  }
0x59: {  	[sflag:s17] =	ssyncset.done $0x0  }
0x5a: {  	s24 =	sadd.s32 $0xA200, s22;
	[sflag:s17] =	ssyncadd.s32 $0xFFFFF060  }
0x5b: {  	[tilespmem:s21], [sflag:$0x1] =	stream.indirect.gather [spmem:s3], $0x20, s24, s20, $0xb8;
	[tilespmem:$0x12E80] =	vst v63  }
0x5c: {  	_ =	swait.ge [sflag:s30], $0xFA0  }
0x5d: {  	[sflag:s30] =	ssyncset.done $0x0  }
0x5e: {  	s24 =	sadd.s32 $0xC880, s22;
	[sflag:s30] =	ssyncadd.s32 $0xFFFFF060  }
0x5f: {  	[spmem:s4] =	stream.indirect.scatter.add.f32 [tilespmem:s23], [sflag:$0x5], $0x20, s24, s20, $0xb8;
	[tilespmem:$0x12E80] =	vst v63  }
0x60: {  	_ =	swait.ge [sflag:s17], $0xFA0  }
0x61: {  	[sflag:s17] =	ssyncset.done $0x0  }
0x62: {  	s24 =	sadd.s32 $0xA280, s22;
	[sflag:s17] =	ssyncadd.s32 $0xFFFFF060  }
0x63: {  	[tilespmem:s23], [sflag:$0x2] =	stream.indirect.gather [spmem:s3], $0x20, s24, s20, $0xb8;
	[tilespmem:$0x12E80] =	vst v63  }
0x64: {  	_ =	swait.ge [sflag:s31], $0xFA0  }
0x65: {  	[sflag:s31] =	ssyncset.done $0x0  }
0x66: {  	s24 =	sadd.s32 $0xC900, s22;
	[sflag:s31] =	ssyncadd.s32 $0xFFFFF060  }
0x67: {  	[spmem:s4] =	stream.indirect.scatter.add.f32 [tilespmem:s25], [sflag:$0x5], $0x20, s24, s20, $0xb8;
	[tilespmem:$0x12E80] =	vst v63  }
0x68: {  	_ =	swait.ge [sflag:s17], $0xFA0  }
0x69: {  	[sflag:s17] =	ssyncset.done $0x0  }
0x6a: {  	s24 =	sadd.s32 $0xA300, s22;
	[sflag:s17] =	ssyncadd.s32 $0xFFFFF060  }
0x6b: {  	[tilespmem:s25], [sflag:$0x3] =	stream.indirect.gather [spmem:s3], $0x20, s24, s20, $0xb8;
	[tilespmem:$0x12E80] =	vst v63  }
0x6c: {  	_ =	swait.ge [sflag:s2], $0xFA0  }
0x6d: {  	[sflag:s2] =	ssyncset.done $0x0  }
.Ltmp0:
0x6e: {  	s24 =	sadd.s32 $0xC980, s22;
	[sflag:s2] =	ssyncadd.s32 $0xFFFFF060;
	(pc) =	sbr.rel @p1 .LBB2_2-.Ltmp0, $4  }
0x6f: {  	[spmem:s4] =	stream.indirect.scatter.add.f32 [tilespmem:s28], [sflag:$0x5], $0x20, s24, s20, $0xb8;
	[tilespmem:$0x12E80] =	vst v63  }
0x70: {  	_ =	swait.ge [sflag:s17], $0xFA0  }
0x71: {  	[sflag:s17] =	ssyncset.done $0x0  }
0x72: {  	s22 =	sadd.s32 $0xA380, s22;
	[sflag:s17] =	ssyncadd.s32 $0xFFFFF060  }
0x73: {  	[tilespmem:s28], [sflag:$0x4] =	stream.indirect.gather [spmem:s3], $0x20, s22, s20, $0xb8;
	[tilespmem:$0x12E80] =	vst v63  }
0x74: {  	_ =	swait.ge [sflag:s29], $0xFA0  }
0x75: {  	[sflag:s29] =	ssyncset.done $0x0  }
0x76: {  	s19 =	simm.s32 $0xEC00;
	[sflag:s29] =	ssyncadd.s32 $0xFFFFF060  }
0x77: {  	[spmem:s4] =	stream.indirect.scatter.add.f32 [tilespmem:s21], [sflag:$0x5], $0x20, s19, s20, $0xb8;
	[tilespmem:$0x12E80] =	vst v63  }
0x78: {  	_ =	swait.ge [sflag:s17], $0xFA0  }
0x79: {  	[sflag:s17] =	ssyncset.done $0x0  }
0x7a: {  	s24 =	simm.s32 $0xC600;
	[sflag:s17] =	ssyncadd.s32 $0xFFFFF060  }
0x7b: {  	[tilespmem:s21], [sflag:$0x1] =	stream.indirect.gather [spmem:s3], $0x20, s24, s20, $0xb8;
	[tilespmem:$0x12E80] =	vst v63  }
0x7c: {  	_ =	swait.ge [sflag:s30], $0xFA0  }
0x7d: {  	[sflag:s30] =	ssyncset.done $0x0  }
0x7e: {  	s22 =	simm.s32 $0xEC80;
	[sflag:s30] =	ssyncadd.s32 $0xFFFFF060  }
0x7f: {  	[spmem:s4] =	stream.indirect.scatter.add.f32 [tilespmem:s23], [sflag:$0x5], $0x20, s22, s20, $0xb8;
	[tilespmem:$0x12E80] =	vst v63  }
0x80: {  	_ =	swait.ge [sflag:s17], $0xFA0  }
0x81: {  	[sflag:s17] =	ssyncset.done $0x0  }
0x82: {  	s24 =	simm.s32 $0xC680;
	[sflag:s17] =	ssyncadd.s32 $0xFFFFF060  }
0x83: {  	[tilespmem:s23], [sflag:$0x2] =	stream.indirect.gather [spmem:s3], $0x20, s24, s20, $0xb8;
	[tilespmem:$0x12E80] =	vst v63  }
0x84: {  	_ =	swait.ge [sflag:s31], $0xFA0  }
0x85: {  	[sflag:s31] =	ssyncset.done $0x0  }
0x86: {  	s22 =	simm.s32 $0xED00;
	[sflag:s31] =	ssyncadd.s32 $0xFFFFF060  }
0x87: {  	[spmem:s4] =	stream.indirect.scatter.add.f32 [tilespmem:s25], [sflag:$0x5], $0x20, s22, s20, $0xb8;
	[tilespmem:$0x12E80] =	vst v63  }
0x88: {  	_ =	swait.ge [sflag:s17], $0xFA0  }
0x89: {  	[sflag:s17] =	ssyncset.done $0x0  }
0x8a: {  	s24 =	simm.s32 $0xC700;
	[sflag:s17] =	ssyncadd.s32 $0xFFFFF060  }
0x8b: {  	[tilespmem:s25], [sflag:$0x3] =	stream.indirect.gather [spmem:s3], $0x20, s24, s20, $0xb8;
	[tilespmem:$0x12E80] =	vst v63  }
0x8c: {  	_ =	swait.ge [sflag:s2], $0xFA0  }
0x8d: {  	[sflag:s2] =	ssyncset.done $0x0  }
0x8e: {  	s22 =	simm.s32 $0xED80;
	[sflag:s2] =	ssyncadd.s32 $0xFFFFF060  }
0x8f: {  	[spmem:s4] =	stream.indirect.scatter.add.f32 [tilespmem:s28], [sflag:$0x5], $0x20, s22, s20, $0xb8;
	[tilespmem:$0x12E80] =	vst v63  }
0x90: {  	_ =	swait.ge [sflag:s17], $0xFA0  }
0x91: {  	[sflag:s17] =	ssyncset.done $0x0  }
0x92: {  	[sflag:s17] =	ssyncadd.s32 $0xFFFFF060  }
0x93: {  	[tilespmem:s28], [sflag:$0x4] =	stream.indirect.gather [spmem:s3], $0x20, s1, s20, $0xb8;
	[tilespmem:$0x12E80] =	vst v63  }
0x94: {  	_ =	swait.ge [sflag:s29], $0xFA0  }
0x95: {  	[sflag:s29] =	ssyncset.done $0x0  }
0x96: {  	s24 =	simm.s32 $0xEE00;
	[sflag:s29] =	ssyncadd.s32 $0xFFFFF060  }
0x97: {  	[spmem:s4] =	stream.indirect.scatter.add.f32 [tilespmem:s21], [sflag:$0x5], $0x20, s24, s20, $0xb8;
	[tilespmem:$0x12E80] =	vst v63  }
0x98: {  	_ =	swait.ge [sflag:s17], $0xFA0  }
0x99: {  	[sflag:s17] =	ssyncset.done $0x0  }
0x9a: {  	[sflag:s17] =	ssyncadd.s32 $0xFFFFF060  }
0x9b: {  	[tilespmem:s21], [sflag:$0x1] =	stream.indirect.gather [spmem:s3], $0x20, s1, s20, $0xb8;
	[tilespmem:$0x12E80] =	vst v63  }
0x9c: {  	_ =	swait.ge [sflag:s30], $0xFA0  }
0x9d: {  	[sflag:s30] =	ssyncset.done $0x0  }
0x9e: {  	s22 =	simm.s32 $0xEE80;
	[sflag:s30] =	ssyncadd.s32 $0xFFFFF060  }
0x9f: {  	[spmem:s4] =	stream.indirect.scatter.add.f32 [tilespmem:s23], [sflag:$0x5], $0x20, s22, s20, $0xb8;
	[tilespmem:$0x12E80] =	vst v63  }
0xa0: {  	_ =	swait.ge [sflag:s17], $0xFA0  }
0xa1: {  	[sflag:s17] =	ssyncset.done $0x0  }
0xa2: {  	[sflag:s17] =	ssyncadd.s32 $0xFFFFF060  }
0xa3: {  	[tilespmem:s23], [sflag:$0x2] =	stream.indirect.gather [spmem:s3], $0x20, s1, s20, $0xb8;
	[tilespmem:$0x12E80] =	vst v63  }
0xa4: {  	_ =	swait.ge [sflag:s31], $0xFA0  }
0xa5: {  	[sflag:s31] =	ssyncset.done $0x0  }
0xa6: {  	s24 =	simm.s32 $0xEF00;
	[sflag:s31] =	ssyncadd.s32 $0xFFFFF060  }
0xa7: {  	[spmem:s4] =	stream.indirect.scatter.add.f32 [tilespmem:s25], [sflag:$0x5], $0x20, s24, s20, $0xb8;
	[tilespmem:$0x12E80] =	vst v63  }
0xa8: {  	_ =	swait.ge [sflag:s17], $0xFA0  }
0xa9: {  	[sflag:s17] =	ssyncset.done $0x0  }
0xaa: {  	[sflag:s17] =	ssyncadd.s32 $0xFFFFF060  }
0xab: {  	[tilespmem:s25], [sflag:$0x3] =	stream.indirect.gather [spmem:s3], $0x20, s1, s20, $0xb8;
	[tilespmem:$0x12E80] =	vst v63  }
0xac: {  	_ =	swait.ge [sflag:s2], $0xFA0  }
0xad: {  	[sflag:s2] =	ssyncset.done $0x0  }
0xae: {  	[sflag:s2] =	ssyncadd.s32 $0xFFFFF060  }
0xaf: {  	[spmem:s4] =	stream.indirect.scatter.add.f32 [tilespmem:s28], [sflag:$0x5], $0x20, s26, s20, $0xb8;
	[tilespmem:$0x12E80] =	vst v63  }
0xb0: {  	_ =	swait.ge [sflag:s17], $0xFA0  }
0xb1: {  	[sflag:s17] =	ssyncset.done $0x0  }
0xb2: {  	[sflag:s17] =	ssyncadd.s32 $0xFFFFF060  }
0xb3: {  	[tilespmem:s28], [sflag:$0x4] =	stream.indirect.gather [spmem:s3], $0x20, s1, s20, $0xb8;
	[tilespmem:$0x12E80] =	vst v63  }
0xb4: {  	_ =	swait.ge [sflag:s29], $0xFA0  }
0xb5: {  	[sflag:s29] =	ssyncset.done $0x0  }
0xb6: {  	[sflag:s29] =	ssyncadd.s32 $0xFFFFF060  }
0xb7: {  	_ =	swait.ge [sflag:s30], $0xFA0  }
0xb8: {  	[sflag:s30] =	ssyncset.done $0x0  }
0xb9: {  	[sflag:s30] =	ssyncadd.s32 $0xFFFFF060  }
0xba: {  	_ =	swait.ge [sflag:s31], $0xFA0  }
0xbb: {  	[sflag:s31] =	ssyncset.done $0x0  }
0xbc: {  	[sflag:s31] =	ssyncadd.s32 $0xFFFFF060  }
0xbd: {  	_ =	swait.ge [sflag:s2], $0xFA0  }
0xbe: {  	s0 =	sadd.s32 $0x1, s0;
	[sflag:s2] =	ssyncset.done $0x0  }
0xbf: {  	p1 =	sne.s32 s0, s11;
	[sflag:s2] =	ssyncadd.s32 $0xFFFFF060  }
.Ltmp1:
0xc0: {  	[bflag:$0x0] =	sbarrier.arrive $0xFFFF;
	(pc) =	sbr.rel @p1 .LBB2_1-.Ltmp1, $4  }
0xc1: {  	[hbm:s10], [sflag:s15] =	dma.local [spmem:s16], $0xA00  }
0xc2: {  	_ =	swait.ge [sflag:s17], $0xA00  }
0xc3: {  	[sflag:s17] =	ssyncset.done $0x0  }
0xc4: {  	[sflag:s17] =	ssyncadd.s32 $0xFFFFF600  }
0xc5: {  	_ =	sfence.sel $0x180000  }
0xc6: {  	[bflag:$0x0] =	sbarrier.arrive $0xFFFF  }
0xc7: {  	_ =	strace $0x9000004A  }
0xc8: {  	s0 =	stileid.u32;
	[bflag:$0x2] =	sbarrier.arrive $0xFFFF  }
0xc9: {  	p0 =	sne.s32 s0, $0x0;
	s0 =	rddreg [dreg:$0x4]  }
0xca: {  	s0 =	sadd.s32 @!p0 $0x100000, s0  }
0xcb: {  	[sflag:s0] =	ssyncadd.tile.s32 @!p0 $0x1;
	_ =	shalt  }
.Lfunc_end2:
_tile_overlayer_lowered:
.L_overlay_start_2:
0xcc: {  	(tag) =	ssettag $0x2  }
0xcd: {  	s0 =	rddreg [dreg:$0x0];
	s2 =	stileid.u32  }
0xce: {  	s1 =	rddreg [dreg:$0x1];
	p0 =	sne.s32 s2, $0x0  }
0xcf: {  	s3 =	rddreg [dreg:$0x2];
	[bflag:$0x3] =	sbarrier.arrive $0xFFFF;
	s2 =	simm.s32 @!p0 $0x1C05  }
0xd0: {  	[timem:s3], [sflag:s2] =	dma.local @!p0 [hbm:s0], s1  }
0xd1: {  	s0 =	simm.s32 @!p0 $0x5  }
0xd2: {  	_ =	swait.ge @!p0 [sflag:s0], s1  }
0xd3: {  	s1 =	ssub.s32 @!p0 $0x0, s1;
	[sflag:s0] =	ssyncset.done @!p0 $0x0  }
0xd4: {  	[sflag:s0] =	ssyncadd.s32 @!p0 s1  }
0xd5: {  	[bflag:$0x3] =	sbarrier.arrive $0xFFFF  }
0xd6: {  	_ =	shalt  }

// kernel: kernel.15.cloned.1.call-start
scs
__scs_entry_jumppad:
0x0: {  	(pc) =	sbr.rel $0x88, $3  }
0x1: {  	(tag) =	ssettag $0x0;
	lr =	simm.s32 $0x1  }
0x2: {  	[smem:$0x3F9B] =	sst lr;
	_ =	strace $0xD0000000  }
0x3: {  	_ = 	snop  }
0x4: {  	_ = 	snop  }
0x5: {  	_ = 	snop  }
0x6: {  	_ = 	snop  }
0x7: {  	_ = 	snop  }
__scs_overlays_trampoline_lowered:
0x8: {  	[smem:$0x3FAA] =	sst s0  }
0x9: {  	[smem:$0x3FAB] =	sst s1  }
0xa: {  	[smem:$0x3FAC] =	sst s2  }
0xb: {  	[smem:$0x3FAD] =	sst s3  }
0xc: {  	[smem:$0x3FAE] =	sst s4  }
0xd: {  	[smem:$0x3FAF] =	sst s5  }
0xe: {  	[smem:$0x3FB0] =	sst s6  }
0xf: {  	[smem:$0x3FB1] =	sst s7  }
0x10: {  	[smem:$0x3FB2] =	sst s8  }
0x11: {  	[smem:$0x3FB3] =	sst s9;
	s0 =	simm.s32 @!p0 $0x0  }
0x12: {  	s1 =	sld [smem:$0x3F99];
	s0 =	simm.s32 @p0 $0x1  }
0x13: {  	[smem:$0x3FB4] =	sst s0;
	s0 =	simm.s32 @!p1 $0x0  }
0x14: {  	s2 =	sld [smem:$0x3F98];
	s0 =	simm.s32 @p1 $0x1  }
0x15: {  	[smem:$0x3FB5] =	sst s0;
	s0 =	simm.s32 @!p2 $0x0  }
0x16: {  	s3 =	sld [smem:$0x3FDB];
	s0 =	simm.s32 @p2 $0x1  }
0x17: {  	s4 =	simm.s32 $0x1BF5;
	[smem:$0x3FB7] =	sst s0  }
0x18: {  	s0 =	sld [smem:$0x3F9A];
	_ =	swait.ge [sflag:s4], $0x0  }
0x19: {  	s7 =	sld [smem:$0x3F9B]  }
0x1a: {  	s8 =	sadd.s32 $0xFFFFE003, lr  }
0x1b: {  	s9 =	sadd.s32 $0xFFFFFEF7, lr;
	s5 =	simm.s32 $0xFFFFFFFF;
	p2 =	slt.u32 s8, $0xFFFFF086  }
0x1c: {  	p1 =	slt.u32 s9, $0xF7A;
	s5 =	simm.s32 @!p2 $0x0  }
0x1d: {  	s5 =	simm.s32 @p1 $0x1;
	p0 =	seq.s32 s7, s2  }
0x1e: {  	s7 =	smul.u32 @!p0 $0xF7A, s2;
	p2 =	seq.s32 @!p0 s5, $0x0  }
0x1f: {  	s9 =	smul.u32 $0xF7A, s1;
	s8 =	simm.s32 @!p0 $0x1BF5;
	p2 =	por !p2, p0  }
0x20: {  	[sflag:s8] =	ssyncset.s32 @!p0 $0xFFFFF086;
	s6 =	sadd.s32 @!p0 s3, s7;
	s7 =	simm.s32 @!p0 $0x108  }
0x21: {  	s3 =	sadd.s32 s3, s9;
	s6 =	sadd.s32 @!p0 $0x88, s6;
	s7 =	simm.s32 @p2 $0x1082  }
0x22: {  	[simem:s7], [sflag:s8] =	dma.local @!p0 [hbm:s6], $0xF7A  }
0x23: {  	s9 =	sor.u32 $0xD0000000, s2;
	s6 =	simm.s32 $0x108;
	_ =	swait.ge @!p0 [sflag:s8], $0x0  }
0x24: {  	s3 =	sadd.s32 $0x88, s3;
	s6 =	simm.s32 @!p1 $0x1082;
	[sflag:s4] =	ssyncset.s32 $0xFFFFF086  }
0x25: {  	[simem:s6], [sflag:s4] =	dma.local [hbm:s3], $0xF7A  }
0x26: {  	[smem:$0x3F9B] =	sst s1;
	(tag) =	ssettag s2;
	_ =	strace s9  }
0x27: {  	s1 =	sld [smem:$0x3FAB]  }
0x28: {  	s2 =	sld [smem:$0x3FAC]  }
0x29: {  	s4 =	sld [smem:$0x3FAE]  }
0x2a: {  	p0 =	seq.s32 s5, $0x0;
	s5 =	sld [smem:$0x3FAF]  }
0x2b: {  	s6 =	sld [smem:$0x3FB0]  }
0x2c: {  	s7 =	sld [smem:$0x3FB1]  }
0x2d: {  	s3 =	simm.s32 $0x108;
	s8 =	sld [smem:$0x3FB2]  }
0x2e: {  	s3 =	simm.s32 @!p0 $0x1082;
	s9 =	sld [smem:$0x3FB3]  }
0x2f: {  	lr =	sadd.s32 s0, s3;
	s0 =	sld [smem:$0x3FAA]  }
0x30: {  	s3 =	sld [smem:$0x3FAD]  }
0x31: {  	[smem:$0x3FB6] =	sst s10  }
0x32: {  	s10 =	sld [smem:$0x3FB4];
	_ =	sdelay $0x3  }
0x33: {  	p0 =	seq.s32 s10, $0x1;
	s10 =	sld [smem:$0x3FB6];
	_ =	sdelay $0x3  }
0x34: {  	[smem:$0x3FB6] =	sst s10  }
0x35: {  	s10 =	sld [smem:$0x3FB5];
	_ =	sdelay $0x3  }
0x36: {  	p1 =	seq.s32 s10, $0x1;
	s10 =	sld [smem:$0x3FB6];
	_ =	sdelay $0x3  }
0x37: {  	[smem:$0x3FB6] =	sst s10  }
0x38: {  	s10 =	sld [smem:$0x3FB7]  }
0x39: {  	_ = 	snop;
	(pc) =	sbr.ind lr, $3  }
0x3a: {  	_ = 	snop  }
0x3b: {  	_ = 	snop  }
0x3c: {  	p2 =	seq.s32 s10, $0x1;
	s10 =	sld [smem:$0x3FB6]  }
0x3d: {  	_ =	shalt  }
0x3e: {  	_ =	shalt  }
0x3f: {  	_ =	shalt  }
0x40: {  	_ =	shalt  }
0x41: {  	_ =	shalt  }
0x42: {  	_ =	shalt  }
0x43: {  	_ =	shalt  }
0x44: {  	_ =	shalt  }
0x45: {  	_ =	shalt  }
0x46: {  	_ =	shalt  }
0x47: {  	_ =	shalt  }
0x48: {  	_ =	shalt  }
0x49: {  	_ =	shalt  }
0x4a: {  	_ =	shalt  }
0x4b: {  	_ =	shalt  }
0x4c: {  	_ =	shalt  }
0x4d: {  	_ =	shalt  }
0x4e: {  	_ =	shalt  }
0x4f: {  	_ =	shalt  }
0x50: {  	_ =	shalt  }
0x51: {  	_ =	shalt  }
0x52: {  	_ =	shalt  }
0x53: {  	_ =	shalt  }
0x54: {  	_ =	shalt  }
0x55: {  	_ =	shalt  }
0x56: {  	_ =	shalt  }
0x57: {  	_ =	shalt  }
0x58: {  	_ =	shalt  }
0x59: {  	_ =	shalt  }
0x5a: {  	_ =	shalt  }
0x5b: {  	_ =	shalt  }
0x5c: {  	_ =	shalt  }
0x5d: {  	_ =	shalt  }
0x5e: {  	_ =	shalt  }
0x5f: {  	_ =	shalt  }
0x60: {  	_ =	shalt  }
0x61: {  	_ =	shalt  }
0x62: {  	_ =	shalt  }
0x63: {  	_ =	shalt  }
0x64: {  	_ =	shalt  }
0x65: {  	_ =	shalt  }
0x66: {  	_ =	shalt  }
0x67: {  	_ =	shalt  }
0x68: {  	_ =	shalt  }
0x69: {  	_ =	shalt  }
0x6a: {  	_ =	shalt  }
0x6b: {  	_ =	shalt  }
0x6c: {  	_ =	shalt  }
0x6d: {  	_ =	shalt  }
0x6e: {  	_ =	shalt  }
0x6f: {  	_ =	shalt  }
0x70: {  	_ =	shalt  }
0x71: {  	_ =	shalt  }
0x72: {  	_ =	shalt  }
0x73: {  	_ =	shalt  }
0x74: {  	_ =	shalt  }
0x75: {  	_ =	shalt  }
0x76: {  	_ =	shalt  }
0x77: {  	_ =	shalt  }
0x78: {  	_ =	shalt  }
0x79: {  	_ =	shalt  }
0x7a: {  	_ =	shalt  }
0x7b: {  	_ =	shalt  }
0x7c: {  	_ =	shalt  }
0x7d: {  	_ =	shalt  }
0x7e: {  	_ =	shalt  }
0x7f: {  	_ =	shalt  }
0x80: {  	_ =	shalt  }
0x81: {  	_ =	shalt  }
0x82: {  	_ =	shalt  }
0x83: {  	_ =	shalt  }
0x84: {  	_ =	shalt  }
0x85: {  	_ =	shalt  }
0x86: {  	_ =	shalt  }
0x87: {  	_ =	shalt  }
.Lfunc_end0:
.L_simem_size_0:
called_computation.2_lowered:
.L_overlay_start_0:
0x88: {  	s2 =	sld [smem:$0x3FD9]  }
0x89: {  	s3 =	sld [smem:$0x3FFE];
	_ =	sdelay $0x1  }
0x8a: {  	s1 =	srdreg.scid  }
0x8b: {  	s0 =	sand.u32 $0x1, s1  }
0x8c: {  	s17 =	sshll.u32 s0, $0xA;
	s2 =	sadd.s32 s3, s2  }
0x8d: {  	s2 =	sadd.s32 s2, s17  }
0x8e: {  	[smem:$0x3FC2] =	sst s2  }
0x8f: {  	_ = 	snop  }
0x90: {  	s2 =	sld [smem:$0x3FD0];
	(tm) =	ssettm $0x1  }
0x91: {  	s18 =	sld [smem:$0x3FFB];
	_ =	sdelay $0x3  }
0x92: {  	_ =	strace s18  }
0x93: {  	s3 =	sld [smem:$0x3FFC];
	_ =	sdelay $0x3  }
0x94: {  	_ =	strace s3  }
0x95: {  	s3 =	sld [smem:$0x3FFD];
	_ =	sdelay $0x3  }
0x96: {  	_ =	strace s3  }
0x97: {  	_ =	strace $0x8FFFFFFF  }
0x98: {  	s19 =	sld [smem:$0x3FDB];
	_ =	sdelay $0x1  }
0x99: {  	s4 =	simm.s32 $_scs_section_size  }
0x9a: {  	s5 =	simm.s32 $_size__tile_overlayer_lowered;
	s6 =	simm.s32 $_tile_overlayer_lowered  }
0x9b: {  	s22 =	simm.s32 $0x1BFF;
	s21 =	sshll.u32 s6, $0x1;
	s3 =	sadd.s32 s4, s19  }
0x9c: {  	s7 =	simm.s32 $0x0;
	s20 =	sshll.u32 s5, $0x1;
	s5 =	sadd.s32 s21, s3  }
0x9d: {  	[timem:s7], [sflag:s22] =	dma.local [hbm:s5], s20  }
0x9e: {  	_ =	swait.ge [sflag:s22], s20  }
0x9f: {  	s4 =	ssub.s32 $0x0, s20;
	[sflag:s22] =	ssyncset.done $0x0  }
0xa0: {  	[sflag:s22] =	ssyncadd.s32 s4;
	_ =	sdelay $0x1  }
0xa1: {  	s23 =	simm.s32 $0x1B8B  }
0xa2: {  	_ =	swait.ge [sflag:s23], $0x1  }
0xa3: {  	[sflag:s23] =	ssyncset.done $0x0  }
0xa4: {  	s25 =	simm.s32 $0x1B8E;
	s24 =	sld [smem:$0x3FFE];
	[sflag:s23] =	ssyncadd.s32 $0xFFFFFFFF  }
0xa5: {  	s26 =	simm.s32 $execute0_lowered;
	[smem:$0x3FD2] =	sst s25  }
0xa6: {  	s5 =	sshll.u32 s26, $0x1;
	_ =	strace $0x8000004C;
	[dreg:$0x1] =	wrdreg $0xFFFFFFFF  }
0xa7: {  	s28 =	simm.s32 $_size_execute0_lowered;
	s3 =	sadd.s32 s3, s5;
	[dreg:$0x0] =	wrdreg $0x0  }
0xa8: {  	s5 =	sshll.u32 s28, $0x1;
	[dreg:$0x2] =	wrdreg s3  }
0xa9: {  	[dreg:$0x3] =	wrdreg s5  }
0xaa: {  	[dreg:$0x4] =	wrdreg $0xC0  }
0xab: {  	_ =	task [dreg:s7], $0x5FFFF  }
0xac: {  	[dreg:$0x1] =	wrdreg $0xFFFFFFFF  }
0xad: {  	[dreg:$0x0] =	wrdreg $0x60  }
0xae: {  	[dreg:$0x2] =	wrdreg s24  }
0xaf: {  	[dreg:$0x3] =	wrdreg s2  }
0xb0: {  	[dreg:$0x4] =	wrdreg $0x0  }
0xb1: {  	[dreg:$0x5] =	wrdreg $0x28000  }
0xb2: {  	[dreg:$0x6] =	wrdreg $0x9  }
0xb3: {  	_ =	task.clear_ibuf [dreg:s7], $0x7FFFF;
	_ =	strace $0x9000004C  }
0xb4: {  	s29 =	simm.s32 $0x9;
	_ =	strace $0x8000004E  }
0xb5: {  	_ =	swait.ge [sflag:s29], $0x1  }
0xb6: {  	[sflag:s29] =	ssyncadd.s32 $0xFFFFFFFF  }
0xb7: {  	_ =	strace $0x9000004E  }
0xb8: {  	_ =	sfence  }
0xb9: {  	s30 =	sld [smem:$0x0];
	_ =	sdelay $0x2  }
0xba: {  	s31 =	sshll.u32 s1, $0xD;
	s1 =	sshrl.u32 s1, $0x2  }
0xbb: {  	s3 =	sand.u32 $0x4000, s31;
	s1 =	sadd.s32 s1, s30  }
0xbc: {  	s0 =	sor.u32 s3, s0;
	s1 =	sshll.u32 s1, $0x11  }
0xbd: {  	s0 =	sor.u32 s1, s0  }
0xbe: {  	s0 =	sadd.s32 $0x8F2B, s0  }
0xbf: {  	[sflag:s0] =	ssyncadd.remote.s32 $0x1  }
0xc0: {  	_ =	sfence.sel $0xFFFF  }
0xc1: {  	[dreg:$0x0] =	wrdreg $0xFFFFFFFF;
	(pc) =	sbr.abs _section_cstart, $3  }
0xc2: {  	[dreg:$0x1] =	wrdreg $0xFFFFFFFF  }
0xc3: {  	_ =	task.clear_ibuf [dreg:s7], $0x2FFFF;
	_ =	strace $0x9FFFFFFF  }
0xc4: {  	(tm) =	ssettm $0x7FFFFFFF  }
0xc5: {  	_ =	shalt  }
tec
execute0_lowered:
.L_overlay_start_1:
0x0: {  	(tag) =	ssettag $0x1  }
0x1: {  	s0 =	srdreg.scid;
	s1 =	rddreg [dreg:$0x0]  }
0x2: {  	s7 =	rddreg [dreg:$0x1];
	s15 =	stileid.u32  }
0x3: {  	s2 =	rddreg [dreg:$0x2];
	s17 =	simm.s32 $0x5;
	s18 =	simm.s32 $0x5000  }
0x4: {  	s20 =	simm.s32 $0x7D;
	s21 =	simm.s32 $0xA000;
	s23 =	simm.s32 $0xA7D0  }
0x5: {  	s28 =	simm.s32 $0xB770;
	s29 =	simm.s32 $0x1;
	s30 =	simm.s32 $0x2  }
0x6: {  	s31 =	simm.s32 $0x3;
	s22 =	simm.s32 $0x7780;
	s24 =	simm.s32 $0x0  }
0x7: {  	s0 =	sand.u32 $0x1, s0;
	s8 =	smul.u32 $0x2800, s15;
	s12 =	sadd.s32 $0x25800, s2  }
0x8: {  	p0 =	seq.s32 s15, $0xF;
	s26 =	sshll.u32 s15, $0x6;
	s3 =	sshll.u32 s0, $0x4  }
0x9: {  	s6 =	smul.u32 $0x28000, s0;
	s0 =	ssub.s32 $0x2, s0;
	s12 =	sshrl.u32 @p0 s12, $0x3  }
0xa: {  	s4 =	sor.u32 s15, s3;
	s3 =	rddreg [dreg:$0x3];
	s10 =	sshrl.u32 s0, $0x1  }
0xb: {  	s25 =	sshrl.u32 s8, $0x3;
	s14 =	sadd.s32 s8, s2;
	s5 =	smul.u32 $0x2800, s4  }
0xc: {  	s4 =	simm.s32 $0x0;
	s6 =	sadd.s32 s8, s6;
	s0 =	ssub.s32 s0, s10  }
0xd: {  	s16 =	sadd.s32 s8, s3;
	s14 =	sshrl.u32 @!p0 s14, $0x3;
	[smem:$0x7FF] =	sst s4  }
0xe: {  	s6 =	sshrl.u32 s6, $0x3;
	s11 =	smax.u32 s0, $0x1;
	s0 =	sshll.u32 @!p0 s15, $0x6  }
0xf: {  	s15 =	sor.u32 $0x1C05, s26;
	s16 =	sshrl.u32 s16, $0x3;
	s5 =	sshrl.u32 s5, $0x3  }
0x10: {  	_ =	strace $0x8000004D;
	s13 =	sor.u32 @!p0 $0x1C05, s0;
	s9 =	sadd.s32 s5, s1  }
0x11: {  	s5 =	sadd.s32 $0x15E00, s1;
	s1 =	sadd.s32 s6, s1;
	s6 =	sadd.s32 s7, s25  }
0x12: {  	s7 =	sadd.s32 $0x4B00, s7;
	s25 =	simm.s32 $0xAFA0;
	s8 =	sadd.s32 $0x1E00, s9  }
0x13: {  	s9 =	sadd.s32 $0xBE00, s9;
	s10 =	sadd.s32 $0x16400, s1;
	s1 =	simm.s32 $0x4  }
.LBB2_1:
0x14: {  	s0 =	simm.s32 @p0 $0x1FC5  }
0x15: {  	[spmem:s12], [sflag:s0] =	dma.local @p0 [hbm:s7], $0x320  }
0x16: {  	s0 =	simm.s32 @p0 $0x5  }
0x17: {  	_ =	swait.ge @p0 [sflag:s0], $0x320  }
0x18: {  	[sflag:s0] =	ssyncset.done @p0 $0x0  }
0x19: {  	[sflag:s0] =	ssyncadd.s32 @p0 $0xFFFFFCE0;
	s0 =	simm.s32 @!p0 $0x5  }
0x1a: {  	[spmem:s14], [sflag:s13] =	dma.local @!p0 [hbm:s6], $0x500  }
0x1b: {  	_ =	swait.ge @!p0 [sflag:s0], $0x500  }
0x1c: {  	[sflag:s0] =	ssyncset.done @!p0 $0x0  }
0x1d: {  	[sflag:s0] =	ssyncadd.s32 @!p0 $0xFFFFFB00  }
0x1e: {  	[spmem:s16], [sflag:s15] =	dma.local [hbm:s5], $0x500  }
0x1f: {  	_ =	swait.ge [sflag:s17], $0x500  }
0x20: {  	[sflag:s17] =	ssyncset.done $0x0  }
0x21: {  	[sflag:s17] =	ssyncadd.s32 $0xFFFFFB00  }
0x22: {  	[tilespmem:s18], [sflag:$0x5] =	stream.linear.gather [hbm4b:s8+s4], $0x2800, $0x38;
	[tilespmem:$0xBF40] =	vst v63  }
0x23: {  	_ =	swait.ge [sflag:s17], $0x2800  }
0x24: {  	[sflag:s17] =	ssyncset.done $0x0  }
0x25: {  	s26 =	simm.s32 $0x7800;
	[sflag:s17] =	ssyncadd.s32 $0xFFFFD800  }
0x26: {  	[tilespmem:s26], [sflag:$0x5] =	stream.linear.gather [hbm4b:s9+s4], $0x2800, $0x38;
	[tilespmem:$0xBF40] =	vst v63  }
0x27: {  	_ =	swait.ge [sflag:s17], $0x2800  }
0x28: {  	[sflag:s17] =	ssyncset.done $0x0  }
0x29: {  	[sflag:s17] =	ssyncadd.s32 $0xFFFFD800  }
0x2a: {  	[bflag:$0x0] =	sbarrier.arrive $0xFFFF  }
0x2b: {  	[tilespmem:s21], [sflag:$0x1] =	stream.indirect.gather [spmem:s2], $0x10, s18, s20, $0xb8;
	[tilespmem:$0xBF40] =	vst v63  }
0x2c: {  	s19 =	simm.s32 $0x5080  }
0x2d: {  	[tilespmem:s23], [sflag:$0x2] =	stream.indirect.gather [spmem:s2], $0x10, s19, s20, $0xb8;
	[tilespmem:$0xBF40] =	vst v63  }
0x2e: {  	s26 =	simm.s32 $0x5100  }
0x2f: {  	[tilespmem:s25], [sflag:$0x3] =	stream.indirect.gather [spmem:s2], $0x10, s26, s20, $0xb8;
	[tilespmem:$0xBF40] =	vst v63  }
0x30: {  	s19 =	simm.s32 $0x5180  }
0x31: {  	[tilespmem:s28], [sflag:$0x4] =	stream.indirect.gather [spmem:s2], $0x10, s19, s20, $0xb8;
	[tilespmem:$0xBF40] =	vst v63  }
0x32: {  	_ =	swait.ge [sflag:s29], $0x7D0  }
0x33: {  	[sflag:s29] =	ssyncset.done $0x0  }
0x34: {  	s26 =	simm.s32 $0x7800;
	[sflag:s29] =	ssyncadd.s32 $0xFFFFF830  }
0x35: {  	[spmem:s3] =	stream.indirect.scatter.add.f32 [tilespmem:s21], [sflag:$0x5], $0x10, s26, s20, $0xb8;
	[tilespmem:$0xBF40] =	vst v63  }
0x36: {  	_ =	swait.ge [sflag:s17], $0x7D0  }
0x37: {  	[sflag:s17] =	ssyncset.done $0x0  }
0x38: {  	s19 =	simm.s32 $0x5200;
	[sflag:s17] =	ssyncadd.s32 $0xFFFFF830  }
0x39: {  	[tilespmem:s21], [sflag:$0x1] =	stream.indirect.gather [spmem:s2], $0x10, s19, s20, $0xb8;
	[tilespmem:$0xBF40] =	vst v63  }
0x3a: {  	_ =	swait.ge [sflag:s30], $0x7D0  }
0x3b: {  	[sflag:s30] =	ssyncset.done $0x0  }
0x3c: {  	s26 =	simm.s32 $0x7880;
	[sflag:s30] =	ssyncadd.s32 $0xFFFFF830  }
0x3d: {  	[spmem:s3] =	stream.indirect.scatter.add.f32 [tilespmem:s23], [sflag:$0x5], $0x10, s26, s20, $0xb8;
	[tilespmem:$0xBF40] =	vst v63  }
0x3e: {  	_ =	swait.ge [sflag:s17], $0x7D0  }
0x3f: {  	[sflag:s17] =	ssyncset.done $0x0  }
0x40: {  	s19 =	simm.s32 $0x5280;
	[sflag:s17] =	ssyncadd.s32 $0xFFFFF830  }
0x41: {  	[tilespmem:s23], [sflag:$0x2] =	stream.indirect.gather [spmem:s2], $0x10, s19, s20, $0xb8;
	[tilespmem:$0xBF40] =	vst v63  }
0x42: {  	_ =	swait.ge [sflag:s31], $0x7D0  }
0x43: {  	[sflag:s31] =	ssyncset.done $0x0  }
0x44: {  	s26 =	simm.s32 $0x7900;
	[sflag:s31] =	ssyncadd.s32 $0xFFFFF830  }
0x45: {  	[spmem:s3] =	stream.indirect.scatter.add.f32 [tilespmem:s25], [sflag:$0x5], $0x10, s26, s20, $0xb8;
	[tilespmem:$0xBF40] =	vst v63  }
0x46: {  	_ =	swait.ge [sflag:s17], $0x7D0  }
0x47: {  	[sflag:s17] =	ssyncset.done $0x0  }
0x48: {  	s19 =	simm.s32 $0x5300;
	[sflag:s17] =	ssyncadd.s32 $0xFFFFF830  }
0x49: {  	[tilespmem:s25], [sflag:$0x3] =	stream.indirect.gather [spmem:s2], $0x10, s19, s20, $0xb8;
	[tilespmem:$0xBF40] =	vst v63  }
0x4a: {  	_ =	swait.ge [sflag:s1], $0x7D0  }
0x4b: {  	[sflag:s1] =	ssyncset.done $0x0  }
0x4c: {  	s26 =	simm.s32 $0x7980;
	[sflag:s1] =	ssyncadd.s32 $0xFFFFF830  }
0x4d: {  	[spmem:s3] =	stream.indirect.scatter.add.f32 [tilespmem:s28], [sflag:$0x5], $0x10, s26, s20, $0xb8;
	[tilespmem:$0xBF40] =	vst v63  }
0x4e: {  	_ =	swait.ge [sflag:s17], $0x7D0  }
0x4f: {  	[sflag:s17] =	ssyncset.done $0x0  }
0x50: {  	s0 =	simm.s32 $0x5380;
	s26 =	simm.s32 $0x800;
	[sflag:s17] =	ssyncadd.s32 $0xFFFFF830  }
.LBB2_2:
0x51: {  	[tilespmem:s28], [sflag:$0x4] =	stream.indirect.gather [spmem:s2], $0x10, s0, s20, $0xb8;
	[tilespmem:$0xBF40] =	vst v63  }
0x52: {  	s0 =	smov.u32 s26  }
0x53: {  	p1 =	sne.s32 s26, $0x8800;
	s26 =	sadd.s32 $0x800, s26;
	_ =	swait.ge [sflag:s29], $0x7D0  }
0x54: {  	s0 =	sshra.s32 s0, $0x2;
	[sflag:s29] =	ssyncset.done $0x0  }
0x55: {  	s19 =	sadd.s32 $0x7800, s0;
	[sflag:s29] =	ssyncadd.s32 $0xFFFFF830  }
0x56: {  	[spmem:s3] =	stream.indirect.scatter.add.f32 [tilespmem:s21], [sflag:$0x5], $0x10, s19, s20, $0xb8;
	[tilespmem:$0xBF40] =	vst v63  }
0x57: {  	_ =	swait.ge [sflag:s17], $0x7D0  }
0x58: {  	[sflag:s17] =	ssyncset.done $0x0  }
0x59: {  	s19 =	sadd.s32 $0x5200, s0;
	[sflag:s17] =	ssyncadd.s32 $0xFFFFF830  }
0x5a: {  	[tilespmem:s21], [sflag:$0x1] =	stream.indirect.gather [spmem:s2], $0x10, s19, s20, $0xb8;
	[tilespmem:$0xBF40] =	vst v63  }
0x5b: {  	_ =	swait.ge [sflag:s30], $0x7D0  }
0x5c: {  	[sflag:s30] =	ssyncset.done $0x0  }
0x5d: {  	s19 =	sadd.s32 $0x7880, s0;
	[sflag:s30] =	ssyncadd.s32 $0xFFFFF830  }
0x5e: {  	[spmem:s3] =	stream.indirect.scatter.add.f32 [tilespmem:s23], [sflag:$0x5], $0x10, s19, s20, $0xb8;
	[tilespmem:$0xBF40] =	vst v63  }
0x5f: {  	_ =	swait.ge [sflag:s17], $0x7D0  }
0x60: {  	[sflag:s17] =	ssyncset.done $0x0  }
0x61: {  	s19 =	sadd.s32 $0x5280, s0;
	[sflag:s17] =	ssyncadd.s32 $0xFFFFF830  }
0x62: {  	[tilespmem:s23], [sflag:$0x2] =	stream.indirect.gather [spmem:s2], $0x10, s19, s20, $0xb8;
	[tilespmem:$0xBF40] =	vst v63  }
0x63: {  	_ =	swait.ge [sflag:s31], $0x7D0  }
0x64: {  	[sflag:s31] =	ssyncset.done $0x0  }
0x65: {  	s19 =	sadd.s32 $0x7900, s0;
	[sflag:s31] =	ssyncadd.s32 $0xFFFFF830  }
0x66: {  	[spmem:s3] =	stream.indirect.scatter.add.f32 [tilespmem:s25], [sflag:$0x5], $0x10, s19, s20, $0xb8;
	[tilespmem:$0xBF40] =	vst v63  }
0x67: {  	_ =	swait.ge [sflag:s17], $0x7D0  }
0x68: {  	[sflag:s17] =	ssyncset.done $0x0  }
0x69: {  	s19 =	sadd.s32 $0x5300, s0;
	[sflag:s17] =	ssyncadd.s32 $0xFFFFF830  }
0x6a: {  	[tilespmem:s25], [sflag:$0x3] =	stream.indirect.gather [spmem:s2], $0x10, s19, s20, $0xb8;
	[tilespmem:$0xBF40] =	vst v63  }
0x6b: {  	_ =	swait.ge [sflag:s1], $0x7D0  }
0x6c: {  	[sflag:s1] =	ssyncset.done $0x0  }
.Ltmp0:
0x6d: {  	s19 =	sadd.s32 $0x7980, s0;
	[sflag:s1] =	ssyncadd.s32 $0xFFFFF830;
	(pc) =	sbr.rel @p1 .LBB2_2-.Ltmp0, $4  }
0x6e: {  	[spmem:s3] =	stream.indirect.scatter.add.f32 [tilespmem:s28], [sflag:$0x5], $0x10, s19, s20, $0xb8;
	[tilespmem:$0xBF40] =	vst v63  }
0x6f: {  	_ =	swait.ge [sflag:s17], $0x7D0  }
0x70: {  	[sflag:s17] =	ssyncset.done $0x0  }
0x71: {  	s0 =	sadd.s32 $0x5380, s0;
	[sflag:s17] =	ssyncadd.s32 $0xFFFFF830  }
0x72: {  	[tilespmem:s28], [sflag:$0x4] =	stream.indirect.gather [spmem:s2], $0x10, s0, s20, $0xb8;
	[tilespmem:$0xBF40] =	vst v63  }
0x73: {  	_ =	swait.ge [sflag:s29], $0x7D0  }
0x74: {  	[sflag:s29] =	ssyncset.done $0x0  }
0x75: {  	s26 =	simm.s32 $0x9C00;
	[sflag:s29] =	ssyncadd.s32 $0xFFFFF830  }
0x76: {  	[spmem:s3] =	stream.indirect.scatter.add.f32 [tilespmem:s21], [sflag:$0x5], $0x10, s26, s20, $0xb8;
	[tilespmem:$0xBF40] =	vst v63  }
0x77: {  	_ =	swait.ge [sflag:s17], $0x7D0  }
0x78: {  	[sflag:s17] =	ssyncset.done $0x0  }
0x79: {  	s19 =	simm.s32 $0x7600;
	[sflag:s17] =	ssyncadd.s32 $0xFFFFF830  }
0x7a: {  	[tilespmem:s21], [sflag:$0x1] =	stream.indirect.gather [spmem:s2], $0x10, s19, s20, $0xb8;
	[tilespmem:$0xBF40] =	vst v63  }
0x7b: {  	_ =	swait.ge [sflag:s30], $0x7D0  }
0x7c: {  	[sflag:s30] =	ssyncset.done $0x0  }
0x7d: {  	s26 =	simm.s32 $0x9C80;
	[sflag:s30] =	ssyncadd.s32 $0xFFFFF830  }
0x7e: {  	[spmem:s3] =	stream.indirect.scatter.add.f32 [tilespmem:s23], [sflag:$0x5], $0x10, s26, s20, $0xb8;
	[tilespmem:$0xBF40] =	vst v63  }
0x7f: {  	_ =	swait.ge [sflag:s17], $0x7D0  }
0x80: {  	[sflag:s17] =	ssyncset.done $0x0  }
0x81: {  	s19 =	simm.s32 $0x7680;
	[sflag:s17] =	ssyncadd.s32 $0xFFFFF830  }
0x82: {  	[tilespmem:s23], [sflag:$0x2] =	stream.indirect.gather [spmem:s2], $0x10, s19, s20, $0xb8;
	[tilespmem:$0xBF40] =	vst v63  }
0x83: {  	_ =	swait.ge [sflag:s31], $0x7D0  }
0x84: {  	[sflag:s31] =	ssyncset.done $0x0  }
0x85: {  	s26 =	simm.s32 $0x9D00;
	[sflag:s31] =	ssyncadd.s32 $0xFFFFF830  }
0x86: {  	[spmem:s3] =	stream.indirect.scatter.add.f32 [tilespmem:s25], [sflag:$0x5], $0x10, s26, s20, $0xb8;
	[tilespmem:$0xBF40] =	vst v63  }
0x87: {  	_ =	swait.ge [sflag:s17], $0x7D0  }
0x88: {  	[sflag:s17] =	ssyncset.done $0x0  }
0x89: {  	s19 =	simm.s32 $0x7700;
	[sflag:s17] =	ssyncadd.s32 $0xFFFFF830  }
0x8a: {  	[tilespmem:s25], [sflag:$0x3] =	stream.indirect.gather [spmem:s2], $0x10, s19, s20, $0xb8;
	[tilespmem:$0xBF40] =	vst v63  }
0x8b: {  	_ =	swait.ge [sflag:s1], $0x7D0  }
0x8c: {  	[sflag:s1] =	ssyncset.done $0x0  }
0x8d: {  	s26 =	simm.s32 $0x9D80;
	[sflag:s1] =	ssyncadd.s32 $0xFFFFF830  }
0x8e: {  	[spmem:s3] =	stream.indirect.scatter.add.f32 [tilespmem:s28], [sflag:$0x5], $0x10, s26, s20, $0xb8;
	[tilespmem:$0xBF40] =	vst v63  }
0x8f: {  	_ =	swait.ge [sflag:s17], $0x7D0  }
0x90: {  	[sflag:s17] =	ssyncset.done $0x0  }
0x91: {  	[sflag:s17] =	ssyncadd.s32 $0xFFFFF830  }
0x92: {  	[tilespmem:s28], [sflag:$0x4] =	stream.indirect.gather [spmem:s2], $0x10, s22, s20, $0xb8;
	[tilespmem:$0xBF40] =	vst v63  }
0x93: {  	_ =	swait.ge [sflag:s29], $0x7D0  }
0x94: {  	[sflag:s29] =	ssyncset.done $0x0  }
0x95: {  	s19 =	simm.s32 $0x9E00;
	[sflag:s29] =	ssyncadd.s32 $0xFFFFF830  }
0x96: {  	[spmem:s3] =	stream.indirect.scatter.add.f32 [tilespmem:s21], [sflag:$0x5], $0x10, s19, s20, $0xb8;
	[tilespmem:$0xBF40] =	vst v63  }
0x97: {  	_ =	swait.ge [sflag:s17], $0x7D0  }
0x98: {  	[sflag:s17] =	ssyncset.done $0x0  }
0x99: {  	[sflag:s17] =	ssyncadd.s32 $0xFFFFF830  }
0x9a: {  	[tilespmem:s21], [sflag:$0x1] =	stream.indirect.gather [spmem:s2], $0x10, s22, s20, $0xb8;
	[tilespmem:$0xBF40] =	vst v63  }
0x9b: {  	_ =	swait.ge [sflag:s30], $0x7D0  }
0x9c: {  	[sflag:s30] =	ssyncset.done $0x0  }
0x9d: {  	s26 =	simm.s32 $0x9E80;
	[sflag:s30] =	ssyncadd.s32 $0xFFFFF830  }
0x9e: {  	[spmem:s3] =	stream.indirect.scatter.add.f32 [tilespmem:s23], [sflag:$0x5], $0x10, s26, s20, $0xb8;
	[tilespmem:$0xBF40] =	vst v63  }
0x9f: {  	_ =	swait.ge [sflag:s17], $0x7D0  }
0xa0: {  	[sflag:s17] =	ssyncset.done $0x0  }
0xa1: {  	[sflag:s17] =	ssyncadd.s32 $0xFFFFF830  }
0xa2: {  	[tilespmem:s23], [sflag:$0x2] =	stream.indirect.gather [spmem:s2], $0x10, s22, s20, $0xb8;
	[tilespmem:$0xBF40] =	vst v63  }
0xa3: {  	_ =	swait.ge [sflag:s31], $0x7D0  }
0xa4: {  	[sflag:s31] =	ssyncset.done $0x0  }
0xa5: {  	s19 =	simm.s32 $0x9F00;
	[sflag:s31] =	ssyncadd.s32 $0xFFFFF830  }
0xa6: {  	[spmem:s3] =	stream.indirect.scatter.add.f32 [tilespmem:s25], [sflag:$0x5], $0x10, s19, s20, $0xb8;
	[tilespmem:$0xBF40] =	vst v63  }
0xa7: {  	_ =	swait.ge [sflag:s17], $0x7D0  }
0xa8: {  	[sflag:s17] =	ssyncset.done $0x0  }
0xa9: {  	[sflag:s17] =	ssyncadd.s32 $0xFFFFF830  }
0xaa: {  	[tilespmem:s25], [sflag:$0x3] =	stream.indirect.gather [spmem:s2], $0x10, s22, s20, $0xb8;
	[tilespmem:$0xBF40] =	vst v63  }
0xab: {  	_ =	swait.ge [sflag:s1], $0x7D0  }
0xac: {  	[sflag:s1] =	ssyncset.done $0x0  }
0xad: {  	s26 =	simm.s32 $0x9F80;
	[sflag:s1] =	ssyncadd.s32 $0xFFFFF830  }
0xae: {  	[spmem:s3] =	stream.indirect.scatter.add.f32 [tilespmem:s28], [sflag:$0x5], $0x10, s26, s20, $0xb8;
	[tilespmem:$0xBF40] =	vst v63  }
0xaf: {  	_ =	swait.ge [sflag:s17], $0x7D0  }
0xb0: {  	[sflag:s17] =	ssyncset.done $0x0  }
0xb1: {  	[sflag:s17] =	ssyncadd.s32 $0xFFFFF830  }
0xb2: {  	[tilespmem:s28], [sflag:$0x4] =	stream.indirect.gather [spmem:s2], $0x10, s22, s20, $0xb8;
	[tilespmem:$0xBF40] =	vst v63  }
0xb3: {  	_ =	swait.ge [sflag:s29], $0x7D0  }
0xb4: {  	[sflag:s29] =	ssyncset.done $0x0  }
0xb5: {  	[sflag:s29] =	ssyncadd.s32 $0xFFFFF830  }
0xb6: {  	_ =	swait.ge [sflag:s30], $0x7D0  }
0xb7: {  	[sflag:s30] =	ssyncset.done $0x0  }
0xb8: {  	[sflag:s30] =	ssyncadd.s32 $0xFFFFF830  }
0xb9: {  	_ =	swait.ge [sflag:s31], $0x7D0  }
0xba: {  	[sflag:s31] =	ssyncset.done $0x0  }
0xbb: {  	[sflag:s31] =	ssyncadd.s32 $0xFFFFF830  }
0xbc: {  	_ =	swait.ge [sflag:s1], $0x7D0  }
0xbd: {  	s24 =	sadd.s32 $0x1, s24;
	[sflag:s1] =	ssyncset.done $0x0  }
0xbe: {  	p1 =	sne.s32 s24, s11;
	[sflag:s1] =	ssyncadd.s32 $0xFFFFF830  }
.Ltmp1:
0xbf: {  	[bflag:$0x0] =	sbarrier.arrive $0xFFFF;
	(pc) =	sbr.rel @p1 .LBB2_1-.Ltmp1, $4  }
0xc0: {  	[hbm:s10], [sflag:s15] =	dma.local [spmem:s16], $0x500  }
0xc1: {  	_ =	swait.ge [sflag:s17], $0x500  }
0xc2: {  	[sflag:s17] =	ssyncset.done $0x0  }
0xc3: {  	[sflag:s17] =	ssyncadd.s32 $0xFFFFFB00  }
0xc4: {  	_ =	sfence.sel $0x180000  }
0xc5: {  	[bflag:$0x0] =	sbarrier.arrive $0xFFFF  }
0xc6: {  	_ =	strace $0x9000004D  }
0xc7: {  	s0 =	stileid.u32;
	[bflag:$0x2] =	sbarrier.arrive $0xFFFF  }
0xc8: {  	p0 =	sne.s32 s0, $0x0;
	s0 =	rddreg [dreg:$0x4]  }
0xc9: {  	s0 =	sadd.s32 @!p0 $0x100000, s0  }
0xca: {  	[sflag:s0] =	ssyncadd.tile.s32 @!p0 $0x1;
	_ =	shalt  }
.Lfunc_end2:
_tile_overlayer_lowered:
.L_overlay_start_2:
0xcb: {  	(tag) =	ssettag $0x2  }
0xcc: {  	s0 =	rddreg [dreg:$0x0];
	s2 =	stileid.u32  }
0xcd: {  	s1 =	rddreg [dreg:$0x1];
	p0 =	sne.s32 s2, $0x0  }
0xce: {  	s3 =	rddreg [dreg:$0x2];
	[bflag:$0x3] =	sbarrier.arrive $0xFFFF;
	s2 =	simm.s32 @!p0 $0x1C05  }
0xcf: {  	[timem:s3], [sflag:s2] =	dma.local @!p0 [hbm:s0], s1  }
0xd0: {  	s0 =	simm.s32 @!p0 $0x5  }
0xd1: {  	_ =	swait.ge @!p0 [sflag:s0], s1  }
0xd2: {  	s1 =	ssub.s32 @!p0 $0x0, s1;
	[sflag:s0] =	ssyncset.done @!p0 $0x0  }
0xd3: {  	[sflag:s0] =	ssyncadd.s32 @!p0 s1  }
0xd4: {  	[bflag:$0x3] =	sbarrier.arrive $0xFFFF  }
0xd5: {  	_ =	shalt  }

// kernel: kernel.9.cloned.1.call-start
scs
__scs_entry_jumppad:
0x0: {  	(pc) =	sbr.rel $0x88, $3  }
0x1: {  	(tag) =	ssettag $0x0;
	lr =	simm.s32 $0x1  }
0x2: {  	[smem:$0x3F9B] =	sst lr;
	_ =	strace $0xD0000000  }
0x3: {  	_ = 	snop  }
0x4: {  	_ = 	snop  }
0x5: {  	_ = 	snop  }
0x6: {  	_ = 	snop  }
0x7: {  	_ = 	snop  }
__scs_overlays_trampoline_lowered:
0x8: {  	[smem:$0x3FAA] =	sst s0  }
0x9: {  	[smem:$0x3FAB] =	sst s1  }
0xa: {  	[smem:$0x3FAC] =	sst s2  }
0xb: {  	[smem:$0x3FAD] =	sst s3  }
0xc: {  	[smem:$0x3FAE] =	sst s4  }
0xd: {  	[smem:$0x3FAF] =	sst s5  }
0xe: {  	[smem:$0x3FB0] =	sst s6  }
0xf: {  	[smem:$0x3FB1] =	sst s7  }
0x10: {  	[smem:$0x3FB2] =	sst s8  }
0x11: {  	[smem:$0x3FB3] =	sst s9;
	s0 =	simm.s32 @!p0 $0x0  }
0x12: {  	s1 =	sld [smem:$0x3F99];
	s0 =	simm.s32 @p0 $0x1  }
0x13: {  	[smem:$0x3FB4] =	sst s0;
	s0 =	simm.s32 @!p1 $0x0  }
0x14: {  	s2 =	sld [smem:$0x3F98];
	s0 =	simm.s32 @p1 $0x1  }
0x15: {  	[smem:$0x3FB5] =	sst s0;
	s0 =	simm.s32 @!p2 $0x0  }
0x16: {  	s3 =	sld [smem:$0x3FDB];
	s0 =	simm.s32 @p2 $0x1  }
0x17: {  	s4 =	simm.s32 $0x1BF5;
	[smem:$0x3FB7] =	sst s0  }
0x18: {  	s0 =	sld [smem:$0x3F9A];
	_ =	swait.ge [sflag:s4], $0x0  }
0x19: {  	s7 =	sld [smem:$0x3F9B]  }
0x1a: {  	s8 =	sadd.s32 $0xFFFFE003, lr  }
0x1b: {  	s9 =	sadd.s32 $0xFFFFFEF7, lr;
	s5 =	simm.s32 $0xFFFFFFFF;
	p2 =	slt.u32 s8, $0xFFFFF086  }
0x1c: {  	p1 =	slt.u32 s9, $0xF7A;
	s5 =	simm.s32 @!p2 $0x0  }
0x1d: {  	s5 =	simm.s32 @p1 $0x1;
	p0 =	seq.s32 s7, s2  }
0x1e: {  	s7 =	smul.u32 @!p0 $0xF7A, s2;
	p2 =	seq.s32 @!p0 s5, $0x0  }
0x1f: {  	s9 =	smul.u32 $0xF7A, s1;
	s8 =	simm.s32 @!p0 $0x1BF5;
	p2 =	por !p2, p0  }
0x20: {  	[sflag:s8] =	ssyncset.s32 @!p0 $0xFFFFF086;
	s6 =	sadd.s32 @!p0 s3, s7;
	s7 =	simm.s32 @!p0 $0x108  }
0x21: {  	s3 =	sadd.s32 s3, s9;
	s6 =	sadd.s32 @!p0 $0x88, s6;
	s7 =	simm.s32 @p2 $0x1082  }
0x22: {  	[simem:s7], [sflag:s8] =	dma.local @!p0 [hbm:s6], $0xF7A  }
0x23: {  	s9 =	sor.u32 $0xD0000000, s2;
	s6 =	simm.s32 $0x108;
	_ =	swait.ge @!p0 [sflag:s8], $0x0  }
0x24: {  	s3 =	sadd.s32 $0x88, s3;
	s6 =	simm.s32 @!p1 $0x1082;
	[sflag:s4] =	ssyncset.s32 $0xFFFFF086  }
0x25: {  	[simem:s6], [sflag:s4] =	dma.local [hbm:s3], $0xF7A  }
0x26: {  	[smem:$0x3F9B] =	sst s1;
	(tag) =	ssettag s2;
	_ =	strace s9  }
0x27: {  	s1 =	sld [smem:$0x3FAB]  }
0x28: {  	s2 =	sld [smem:$0x3FAC]  }
0x29: {  	s4 =	sld [smem:$0x3FAE]  }
0x2a: {  	p0 =	seq.s32 s5, $0x0;
	s5 =	sld [smem:$0x3FAF]  }
0x2b: {  	s6 =	sld [smem:$0x3FB0]  }
0x2c: {  	s7 =	sld [smem:$0x3FB1]  }
0x2d: {  	s3 =	simm.s32 $0x108;
	s8 =	sld [smem:$0x3FB2]  }
0x2e: {  	s3 =	simm.s32 @!p0 $0x1082;
	s9 =	sld [smem:$0x3FB3]  }
0x2f: {  	lr =	sadd.s32 s0, s3;
	s0 =	sld [smem:$0x3FAA]  }
0x30: {  	s3 =	sld [smem:$0x3FAD]  }
0x31: {  	[smem:$0x3FB6] =	sst s10  }
0x32: {  	s10 =	sld [smem:$0x3FB4];
	_ =	sdelay $0x3  }
0x33: {  	p0 =	seq.s32 s10, $0x1;
	s10 =	sld [smem:$0x3FB6];
	_ =	sdelay $0x3  }
0x34: {  	[smem:$0x3FB6] =	sst s10  }
0x35: {  	s10 =	sld [smem:$0x3FB5];
	_ =	sdelay $0x3  }
0x36: {  	p1 =	seq.s32 s10, $0x1;
	s10 =	sld [smem:$0x3FB6];
	_ =	sdelay $0x3  }
0x37: {  	[smem:$0x3FB6] =	sst s10  }
0x38: {  	s10 =	sld [smem:$0x3FB7]  }
0x39: {  	_ = 	snop;
	(pc) =	sbr.ind lr, $3  }
0x3a: {  	_ = 	snop  }
0x3b: {  	_ = 	snop  }
0x3c: {  	p2 =	seq.s32 s10, $0x1;
	s10 =	sld [smem:$0x3FB6]  }
0x3d: {  	_ =	shalt  }
0x3e: {  	_ =	shalt  }
0x3f: {  	_ =	shalt  }
0x40: {  	_ =	shalt  }
0x41: {  	_ =	shalt  }
0x42: {  	_ =	shalt  }
0x43: {  	_ =	shalt  }
0x44: {  	_ =	shalt  }
0x45: {  	_ =	shalt  }
0x46: {  	_ =	shalt  }
0x47: {  	_ =	shalt  }
0x48: {  	_ =	shalt  }
0x49: {  	_ =	shalt  }
0x4a: {  	_ =	shalt  }
0x4b: {  	_ =	shalt  }
0x4c: {  	_ =	shalt  }
0x4d: {  	_ =	shalt  }
0x4e: {  	_ =	shalt  }
0x4f: {  	_ =	shalt  }
0x50: {  	_ =	shalt  }
0x51: {  	_ =	shalt  }
0x52: {  	_ =	shalt  }
0x53: {  	_ =	shalt  }
0x54: {  	_ =	shalt  }
0x55: {  	_ =	shalt  }
0x56: {  	_ =	shalt  }
0x57: {  	_ =	shalt  }
0x58: {  	_ =	shalt  }
0x59: {  	_ =	shalt  }
0x5a: {  	_ =	shalt  }
0x5b: {  	_ =	shalt  }
0x5c: {  	_ =	shalt  }
0x5d: {  	_ =	shalt  }
0x5e: {  	_ =	shalt  }
0x5f: {  	_ =	shalt  }
0x60: {  	_ =	shalt  }
0x61: {  	_ =	shalt  }
0x62: {  	_ =	shalt  }
0x63: {  	_ =	shalt  }
0x64: {  	_ =	shalt  }
0x65: {  	_ =	shalt  }
0x66: {  	_ =	shalt  }
0x67: {  	_ =	shalt  }
0x68: {  	_ =	shalt  }
0x69: {  	_ =	shalt  }
0x6a: {  	_ =	shalt  }
0x6b: {  	_ =	shalt  }
0x6c: {  	_ =	shalt  }
0x6d: {  	_ =	shalt  }
0x6e: {  	_ =	shalt  }
0x6f: {  	_ =	shalt  }
0x70: {  	_ =	shalt  }
0x71: {  	_ =	shalt  }
0x72: {  	_ =	shalt  }
0x73: {  	_ =	shalt  }
0x74: {  	_ =	shalt  }
0x75: {  	_ =	shalt  }
0x76: {  	_ =	shalt  }
0x77: {  	_ =	shalt  }
0x78: {  	_ =	shalt  }
0x79: {  	_ =	shalt  }
0x7a: {  	_ =	shalt  }
0x7b: {  	_ =	shalt  }
0x7c: {  	_ =	shalt  }
0x7d: {  	_ =	shalt  }
0x7e: {  	_ =	shalt  }
0x7f: {  	_ =	shalt  }
0x80: {  	_ =	shalt  }
0x81: {  	_ =	shalt  }
0x82: {  	_ =	shalt  }
0x83: {  	_ =	shalt  }
0x84: {  	_ =	shalt  }
0x85: {  	_ =	shalt  }
0x86: {  	_ =	shalt  }
0x87: {  	_ =	shalt  }
.Lfunc_end0:
.L_simem_size_0:
called_computation_lowered:
.L_overlay_start_0:
0x88: {  	s2 =	sld [smem:$0x3FD9]  }
0x89: {  	s3 =	sld [smem:$0x3FFE];
	_ =	sdelay $0x1  }
0x8a: {  	s1 =	srdreg.scid  }
0x8b: {  	s0 =	sand.u32 $0x1, s1  }
0x8c: {  	s17 =	sshll.u32 s0, $0xA;
	s2 =	sadd.s32 s3, s2  }
0x8d: {  	s2 =	sadd.s32 s2, s17  }
0x8e: {  	[smem:$0x3FC2] =	sst s2  }
0x8f: {  	_ = 	snop  }
0x90: {  	s2 =	sld [smem:$0x3FD0];
	(tm) =	ssettm $0x1  }
0x91: {  	s18 =	sld [smem:$0x3FFB];
	_ =	sdelay $0x3  }
0x92: {  	_ =	strace s18  }
0x93: {  	s3 =	sld [smem:$0x3FFC];
	_ =	sdelay $0x3  }
0x94: {  	_ =	strace s3  }
0x95: {  	s3 =	sld [smem:$0x3FFD];
	_ =	sdelay $0x3  }
0x96: {  	_ =	strace s3  }
0x97: {  	_ =	strace $0x8FFFFFFF  }
0x98: {  	s19 =	sld [smem:$0x3FDB];
	_ =	sdelay $0x1  }
0x99: {  	s4 =	simm.s32 $_scs_section_size  }
0x9a: {  	s5 =	simm.s32 $_size__tile_overlayer_lowered;
	s6 =	simm.s32 $_tile_overlayer_lowered  }
0x9b: {  	s22 =	simm.s32 $0x1BFF;
	s21 =	sshll.u32 s6, $0x1;
	s3 =	sadd.s32 s4, s19  }
0x9c: {  	s7 =	simm.s32 $0x0;
	s20 =	sshll.u32 s5, $0x1;
	s5 =	sadd.s32 s21, s3  }
0x9d: {  	[timem:s7], [sflag:s22] =	dma.local [hbm:s5], s20  }
0x9e: {  	_ =	swait.ge [sflag:s22], s20  }
0x9f: {  	s4 =	ssub.s32 $0x0, s20;
	[sflag:s22] =	ssyncset.done $0x0  }
0xa0: {  	[sflag:s22] =	ssyncadd.s32 s4;
	_ =	sdelay $0x1  }
0xa1: {  	s23 =	simm.s32 $0x1B8B  }
0xa2: {  	_ =	swait.ge [sflag:s23], $0x1  }
0xa3: {  	[sflag:s23] =	ssyncset.done $0x0  }
0xa4: {  	s25 =	simm.s32 $0x1B8E;
	s24 =	sld [smem:$0x3FFE];
	[sflag:s23] =	ssyncadd.s32 $0xFFFFFFFF  }
0xa5: {  	s26 =	simm.s32 $execute0_lowered;
	[smem:$0x3FD2] =	sst s25  }
0xa6: {  	s5 =	sshll.u32 s26, $0x1;
	_ =	strace $0x80000046;
	[dreg:$0x1] =	wrdreg $0xFFFFFFFF  }
0xa7: {  	s28 =	simm.s32 $_size_execute0_lowered;
	s3 =	sadd.s32 s3, s5;
	[dreg:$0x0] =	wrdreg $0x0  }
0xa8: {  	s5 =	sshll.u32 s28, $0x1;
	[dreg:$0x2] =	wrdreg s3  }
0xa9: {  	[dreg:$0x3] =	wrdreg s5  }
0xaa: {  	[dreg:$0x4] =	wrdreg $0xC0  }
0xab: {  	_ =	task [dreg:s7], $0x5FFFF  }
0xac: {  	[dreg:$0x1] =	wrdreg $0xFFFFFFFF  }
0xad: {  	[dreg:$0x0] =	wrdreg $0x60  }
0xae: {  	[dreg:$0x2] =	wrdreg s24  }
0xaf: {  	[dreg:$0x3] =	wrdreg s2  }
0xb0: {  	[dreg:$0x4] =	wrdreg $0x0  }
0xb1: {  	[dreg:$0x5] =	wrdreg $0x9  }
0xb2: {  	_ =	task.clear_ibuf [dreg:s7], $0x6FFFF;
	_ =	strace $0x90000046  }
0xb3: {  	s29 =	simm.s32 $0x9;
	_ =	strace $0x80000048  }
0xb4: {  	_ =	swait.ge [sflag:s29], $0x1  }
0xb5: {  	[sflag:s29] =	ssyncadd.s32 $0xFFFFFFFF  }
0xb6: {  	_ =	strace $0x90000048  }
0xb7: {  	_ =	sfence  }
0xb8: {  	s30 =	sld [smem:$0x0];
	_ =	sdelay $0x2  }
0xb9: {  	s31 =	sshll.u32 s1, $0xD;
	s1 =	sshrl.u32 s1, $0x2  }
0xba: {  	s3 =	sand.u32 $0x4000, s31;
	s1 =	sadd.s32 s1, s30  }
0xbb: {  	s0 =	sor.u32 s3, s0;
	s1 =	sshll.u32 s1, $0x11  }
0xbc: {  	s0 =	sor.u32 s1, s0  }
0xbd: {  	s0 =	sadd.s32 $0x8F2B, s0  }
0xbe: {  	[sflag:s0] =	ssyncadd.remote.s32 $0x1  }
0xbf: {  	_ =	sfence.sel $0xFFFF  }
0xc0: {  	[dreg:$0x0] =	wrdreg $0xFFFFFFFF;
	(pc) =	sbr.abs _section_cstart, $3  }
0xc1: {  	[dreg:$0x1] =	wrdreg $0xFFFFFFFF  }
0xc2: {  	_ =	task.clear_ibuf [dreg:s7], $0x2FFFF;
	_ =	strace $0x9FFFFFFF  }
0xc3: {  	(tm) =	ssettm $0x7FFFFFFF  }
tec
execute0_lowered:
.L_overlay_start_1:
0x0: {  	(tag) =	ssettag $0x1  }
0x1: {  	s7 =	rddreg [dreg:$0x0]  }
0x2: {  	s8 =	rddreg [dreg:$0x1]  }
0x3: {  	s1 =	rddreg [dreg:$0x2]  }
0x4: {  	s0 =	rddreg [dreg:$0x3];
	s2 =	simm.s32 $0x0;
	s3 =	srdreg.scid  }
0x5: {  	s14 =	simm.s32 $0x2A80;
	s15 =	simm.s32 $0x7D;
	s18 =	simm.s32 $0x0  }
0x6: {  	[smem:$0x7FF] =	sst s2;
	s6 =	sand.u32 $0x1, s3;
	s4 =	sadd.s32 $0x16000, s7  }
0x7: {  	s3 =	stileid.u32;
	_ =	strace $0x80000047;
	s5 =	sshll.u32 s6, $0x4  }
0x8: {  	s9 =	ssub.s32 $0x2, s6;
	s10 =	smul.u32 $0x280, s3;
	s28 =	sshll.u32 s3, $0x6  }
0x9: {  	s13 =	smul.u32 $0x2710, s6;
	p0 =	seq.s32 s3, $0xF;
	s11 =	sor.u32 s3, s5  }
0xa: {  	s5 =	sadd.s32 $0x15E00, s7;
	s12 =	sshrl.u32 s9, $0x1;
	s6 =	sor.u32 $0x1C01, s28  }
0xb: {  	s11 =	smul.u32 $0x2800, s11;
	s12 =	ssub.s32 s9, s12;
	s17 =	sadd.s32 s10, s1  }
0xc: {  	s30 =	sadd.s32 s10, s13;
	s31 =	sshrl.u32 s13, $0x3;
	s13 =	simm.s32 $0x280  }
0xd: {  	s9 =	sshrl.u32 s30, $0x3;
	s10 =	sadd.s32 s8, s31;
	s16 =	sshrl.u32 @p0 s17, $0x3  }
0xe: {  	s29 =	sshrl.u32 s11, $0x3;
	s8 =	sadd.s32 s8, s9;
	s9 =	sadd.s32 $0x4B0, s10  }
0xf: {  	s10 =	smax.u32 s12, $0x1;
	s11 =	sshrl.u32 s17, $0x3;
	s7 =	sadd.s32 s7, s29  }
0x10: {  	s12 =	simm.s32 $0x1;
	s17 =	sshrl.u32 @!p0 s17, $0x3;
	s7 =	sadd.s32 $0xBE00, s7  }
.LBB2_1:
0x11: {  	[spmem:s11], [sflag:s6] =	dma.local [hbm:s5], $0x50  }
0x12: {  	_ =	swait.ge [sflag:s12], $0x50  }
0x13: {  	[sflag:s12] =	ssyncset.done $0x0  }
0x14: {  	[sflag:s12] =	ssyncadd.s32 $0xFFFFFFB0  }
0x15: {  	[tilespmem:s13], [sflag:$0x1] =	stream.linear.gather [hbm4b:s7+s2], $0x2800, $0x38;
	[tilespmem:$0x2B00] =	vst v63  }
0x16: {  	_ =	swait.ge [sflag:s12], $0x2800  }
0x17: {  	[sflag:s12] =	ssyncset.done $0x0  }
0x18: {  	[sflag:s12] =	ssyncadd.s32 $0xFFFFD800  }
0x19: {  	[tilespmem:s14], [sflag:$0x1] =	stream.linear.gather [hbm4b:s4+s2], $0x80, $0x38;
	[tilespmem:$0x2B00] =	vst v63  }
0x1a: {  	_ =	swait.ge [sflag:s12], $0x80  }
0x1b: {  	[sflag:s12] =	ssyncset.done $0x0  }
0x1c: {  	[sflag:s12] =	ssyncadd.s32 $0xFFFFFF80  }
0x1d: {  	s19 =	simm.s32 $0x280;
	[bflag:$0x0] =	sbarrier.arrive $0xFFFF  }
0x1e: {  	[spmem:s1] =	stream.indirect.scatter.add.f32 [tilespmem:s14], [sflag:$0x1], $0x1, s19, s15, $0xb8;
	[tilespmem:$0x2B00] =	vst v63  }
0x1f: {  	s19 =	simm.s32 $0x200;
	_ =	swait.ge [sflag:s12], $0x7D  }
.LBB2_2:
0x20: {  	s20 =	sshra.s32 s19, $0x2;
	[sflag:s12] =	ssyncset.done $0x0;
	p1 =	sne.s32 s19, $0x9E00  }
.Ltmp0:
0x21: {  	s20 =	sadd.s32 $0x280, s20;
	[sflag:s12] =	ssyncadd.s32 $0xFFFFFF83;
	(pc) =	sbr.rel @p1 .LBB2_2-.Ltmp0, $3  }
0x22: {  	[spmem:s1] =	stream.indirect.scatter.add.f32 [tilespmem:s14], [sflag:$0x1], $0x1, s20, s15, $0xb8;
	[tilespmem:$0x2B00] =	vst v63  }
0x23: {  	s19 =	sadd.s32 $0x200, s19;
	_ =	sdelay $0x1  }
0x24: {  	_ =	swait.ge [sflag:s12], $0x7D  }
0x25: {  	[sflag:s12] =	ssyncset.done $0x0  }
0x26: {  	[sflag:s12] =	ssyncadd.s32 $0xFFFFFF83  }
0x27: {  	s19 =	simm.s32 @p0 $0x1;
	[bflag:$0x0] =	sbarrier.arrive $0xFFFF  }
0x28: {  	[hbm:s9], [sflag:s6] =	dma.local @p0 [spmem:s16], $0x32  }
0x29: {  	s18 =	sadd.s32 $0x1, s18;
	_ =	swait.ge @p0 [sflag:s19], $0x32  }
0x2a: {  	p1 =	sne.s32 s18, s10;
	[sflag:s19] =	ssyncset.done @p0 $0x0  }
.Ltmp1:
0x2b: {  	[sflag:s19] =	ssyncadd.s32 @p0 $0xFFFFFFCE;
	s19 =	simm.s32 @!p0 $0x1;
	(pc) =	sbr.rel @p1 .LBB2_1-.Ltmp1, $4  }
0x2c: {  	[hbm:s8], [sflag:s6] =	dma.local @!p0 [spmem:s17], $0x50  }
0x2d: {  	_ =	swait.ge @!p0 [sflag:s19], $0x50  }
0x2e: {  	[sflag:s19] =	ssyncset.done @!p0 $0x0  }
0x2f: {  	[sflag:s19] =	ssyncadd.s32 @!p0 $0xFFFFFFB0  }
0x30: {  	_ =	sfence.sel $0x180000  }
0x31: {  	[bflag:$0x0] =	sbarrier.arrive $0xFFFF  }
0x32: {  	p0 =	sne.s32 s3, $0x0;
	_ =	strace $0x90000047  }
0x33: {  	s0 =	sadd.s32 @!p0 $0x100000, s0;
	[bflag:$0x2] =	sbarrier.arrive $0xFFFF  }
0x34: {  	[sflag:s0] =	ssyncadd.tile.s32 @!p0 $0x1;
	_ =	shalt  }
.Lfunc_end2:
_tile_overlayer_lowered:
.L_overlay_start_2:
0x35: {  	(tag) =	ssettag $0x2  }
0x36: {  	s0 =	rddreg [dreg:$0x0];
	s2 =	stileid.u32  }
0x37: {  	s1 =	rddreg [dreg:$0x1];
	p0 =	sne.s32 s2, $0x0  }
0x38: {  	s3 =	rddreg [dreg:$0x2];
	[bflag:$0x3] =	sbarrier.arrive $0xFFFF;
	s2 =	simm.s32 @!p0 $0x1C01  }
0x39: {  	[timem:s3], [sflag:s2] =	dma.local @!p0 [hbm:s0], s1  }
0x3a: {  	s0 =	simm.s32 @!p0 $0x1  }
0x3b: {  	_ =	swait.ge @!p0 [sflag:s0], s1  }
0x3c: {  	s1 =	ssub.s32 @!p0 $0x0, s1;
	[sflag:s0] =	ssyncset.done @!p0 $0x0  }
0x3d: {  	[sflag:s0] =	ssyncadd.s32 @!p0 s1  }
0x3e: {  	[bflag:$0x3] =	sbarrier.arrive $0xFFFF  }
0x3f: {  	_ =	shalt  }

</sc_bundles>
